<compile_context>
chip_gen: v7x
topology: tpu7x:2x2x1
jax: 0.10.2.dev20260603
libtpu: 0.0.44.dev20260713+nightly
codegen_flags: <defaults>
</compile_context>

<pallas_src>
import jax
import jax.numpy as jnp
from jax import lax
from jax.experimental import pallas as pl
from jax.experimental.pallas import tpu as pltpu
from jax.experimental.pallas import tpu_sc as plsc

INPUT_SIZE = 1024
HIDDEN_SIZE = 4096
OUTPUT_SIZE = 1024
NUM_EXPERTS = 8
NUM_SELECTS = 2
H_PER_EXPERT = HIDDEN_SIZE // NUM_EXPERTS

_T = 2 * 2048
_P = _T * NUM_SELECTS
_BT = 256
_NB = _P // _BT + NUM_EXPERTS
_VBPE = _T // _BT
_NVB = NUM_EXPERTS * _VBPE
_V_ROWS = (_NVB + 1) * _BT

_GATE_BT = 512
_CMB_BT = 512

_NW = 32
_PPW = _P // _NW
_GCH = 64
_NCH = _PPW // _GCH
_L = 16
_DW = INPUT_SIZE // 2
_OW = OUTPUT_SIZE // 2


def _pack_bf16(a):
    u = lax.bitcast_convert_type(a, jnp.uint32)
    b = (u + jnp.uint32(0x7FFF) + ((u >> 16) & jnp.uint32(1))) >> 16
    n = a.shape[-1] // 2
    lo = b[..., :n]
    hi = b[..., n:]
    return lax.bitcast_convert_type(lo | (hi << 16), jnp.int32)


def _unpack_f32(p):
    u = lax.bitcast_convert_type(p, jnp.uint32)
    lo = lax.bitcast_convert_type(u << 16, jnp.float32)
    hi = lax.bitcast_convert_type(u & jnp.uint32(0xFFFF0000), jnp.float32)
    return jnp.concatenate([lo, hi], axis=-1)


def _gate_kernel(x_ref, wg1_ref, wg2_ref, wge_ref, wue_ref, wde_ref,
                 x16i_ref, eidx_ref, esc_ref, vpos_ref,
                 imp_ref, cnt_ref, loss_ref, be_ref, vb_ref,
                 wg16_ref, wu16_ref, wd16_ref):
    i = pl.program_id(0)
    nb = pl.num_programs(0)
    xb = x_ref[...]
    h = jnp.tanh(lax.dot_general(xb, wg1_ref[...], (((1,), (1,)), ((), ())),
                                 preferred_element_type=jnp.float32))
    logits = lax.dot_general(h, wg2_ref[...], (((1,), (1,)), ((), ())),
                             preferred_element_type=jnp.float32)
    lane = lax.broadcasted_iota(jnp.int32, logits.shape, 1)
    m1 = jnp.max(logits, axis=1, keepdims=True)
    i1 = jnp.min(jnp.where(logits == m1, lane, NUM_EXPERTS), axis=1,
                 keepdims=True)
    masked = jnp.where(lane == i1, -jnp.inf, logits)
    m2 = jnp.max(masked, axis=1, keepdims=True)
    i2 = jnp.min(jnp.where(masked == m2, lane, NUM_EXPERTS), axis=1,
                 keepdims=True)
    e2 = jnp.exp(m2 - m1)
    denom = 1.0 + e2
    s1 = 1.0 / denom
    s2 = e2 / denom
    sel1 = lane == i1
    sel2 = lane == i2

    x16i_ref[...] = _pack_bf16(xb)
    eidx_ref[...] = jnp.concatenate([i1, i2], axis=1)
    esc_ref[...] = jnp.concatenate([s1, s2], axis=1)

    wg16_ref[...] = wge_ref[...].astype(jnp.bfloat16)
    wu16_ref[...] = wue_ref[...].astype(jnp.bfloat16)
    wd16_ref[...] = wde_ref[...].astype(jnp.bfloat16)

    @pl.when(i == 0)
    def _():
        imp_ref[...] = jnp.zeros_like(imp_ref)
        cnt_ref[...] = jnp.zeros_like(cnt_ref)

    base = cnt_ref[0:1, :]
    cnt_te = sel1.astype(jnp.int32) + sel2.astype(jnp.int32)
    n = cnt_te.shape[0]
    tri = (lax.broadcasted_iota(jnp.int32, (n, n), 0)
           > lax.broadcasted_iota(jnp.int32, (n, n), 1)).astype(jnp.float32)
    prev_f = lax.dot_general(tri, cnt_te.astype(jnp.float32),
                             (((1,), (0,)), ((), ())),
                             preferred_element_type=jnp.float32)
    prev = prev_f.astype(jnp.int32) + base
    r1 = jnp.sum(jnp.where(sel1, prev, 0), axis=1, keepdims=True)
    r2 = jnp.sum(jnp.where(sel2, prev, 0), axis=1, keepdims=True)
    vpos_ref[...] = (jnp.concatenate([i1, i2], axis=1) * _T
                     + jnp.concatenate([r1, r2], axis=1))

    imp_part = jnp.sum(jnp.where(sel1, s1, 0.0) + jnp.where(sel2, s2, 0.0),
                       axis=0, keepdims=True)
    imp_ref[0:1, :] += imp_part
    cnt_ref[0:1, :] += jnp.sum(cnt_te, axis=0, keepdims=True)

    @pl.when(i == nb - 1)
    def _():
        imp = imp_ref[0:1, :]
        cnt = cnt_ref[0:1, :].astype(jnp.float32)

        def cv2(v):
            mean = jnp.sum(v) / NUM_EXPERTS
            var = jnp.sum((v - mean) ** 2) / (NUM_EXPERTS - 1)
            return var / (mean * mean + 1e-10)

        loss_ref[...] = jnp.full_like(loss_ref, 0.01 * (cv2(imp) + cv2(cnt)))

        padded = ((cnt_ref[0:1, :] + (_BT - 1)) // _BT) * _BT
        padf = padded.astype(jnp.float32)
        tri8 = (lax.broadcasted_iota(jnp.int32, (NUM_EXPERTS, NUM_EXPERTS), 0)
                > lax.broadcasted_iota(jnp.int32, (NUM_EXPERTS, NUM_EXPERTS),
                                       1)).astype(jnp.float32)
        offs_col = jnp.sum(tri8 * padf, axis=1, keepdims=True)
        total = jnp.sum(padf)
        bvals = (lax.broadcasted_iota(jnp.int32, (1, _NB), 1)
                 * _BT).astype(jnp.float32)
        be = jnp.sum((offs_col <= bvals).astype(jnp.int32), axis=0,
                     keepdims=True) - 1
        lane_e = lax.broadcasted_iota(jnp.int32, (NUM_EXPERTS, _NB), 0)
        offs_be = jnp.sum(
            jnp.where(lane_e == be, offs_col, 0.0), axis=0,
            keepdims=True)
        inblk = ((bvals - offs_be) / _BT).astype(jnp.int32)
        vb = jnp.where(bvals < total, be * _VBPE + inblk, _NVB)
        be_ref[0:1, :] = be
        vb_ref[0:1, :] = vb


def _ffn_kernel(be_ref, vb_ref, xs_ref, wg_ref, wu_ref, wd_ref, out_ref):
    del be_ref, vb_ref
    u = lax.bitcast_convert_type(xs_ref[...], jnp.uint32)
    xlo = lax.bitcast_convert_type(u << 16, jnp.float32).astype(jnp.bfloat16)
    xhi = lax.bitcast_convert_type(u & jnp.uint32(0xFFFF0000),
                                   jnp.float32).astype(jnp.bfloat16)
    dn = (((1,), (1,)), ((), ()))

    def two_part_dot(xl, xh, w):
        return (lax.dot_general(xl, w[:, :_DW], dn,
                                preferred_element_type=jnp.float32)
                + lax.dot_general(xh, w[:, _DW:], dn,
                                  preferred_element_type=jnp.float32))

    hg = two_part_dot(xlo, xhi, wg_ref[0])
    hu = two_part_dot(xlo, xhi, wu_ref[0])
    h = (hg * jax.nn.sigmoid(hg) * hu).astype(jnp.bfloat16)
    o = lax.dot_general(h, wd_ref[0], dn,
                        preferred_element_type=jnp.float32)
    out_ref[...] = _pack_bf16(o)


def _cmb_kernel(op_ref, esc_ref, y_ref):
    o = _unpack_f32(op_ref[...])
    s = esc_ref[...]
    y_ref[...] = s[:, 0:1] * o[:, 0, :] + s[:, 1:2] * o[:, 1, :]


def _sc_dispatch_body(x_hbm, tok_hbm, pos_hbm, xs_hbm,
                      tok_v, pos_v, rowa_v, rowb_v, rowc_v,
                      sga, sgb, sgc, ssa, ssb, ssc):
    wid = lax.axis_index("s") * 2 + lax.axis_index("c")
    pltpu.sync_copy(tok_hbm.at[wid], tok_v)
    pltpu.sync_copy(pos_hbm.at[wid], pos_v)
    bufs = (rowa_v, rowb_v, rowc_v)
    gsems = (sga, sgb, sgc)
    ssems = (ssa, ssb, ssc)
    cps = [pltpu.async_copy(x_hbm.at[tok_v.at[c]], bufs[c % 3], gsems[c % 3])
           for c in range(min(3, _NCH))]
    scs = [None, None, None]
    for c in range(_NCH):
        cps[c % 3].wait()
        scs[c % 3] = pltpu.async_copy(bufs[c % 3], xs_hbm.at[pos_v.at[c]],
                                      ssems[c % 3])
        if c + 3 < _NCH:
            scs[c % 3].wait()
            cps[c % 3] = pltpu.async_copy(x_hbm.at[tok_v.at[c + 3]],
                                          bufs[c % 3], gsems[c % 3])
    for c in range(max(0, _NCH - 3), _NCH):
        scs[c % 3].wait()


def _sc_collect_body(os_hbm, pos_hbm, op_hbm, pos_v, rowa_v, rowb_v, rowc_v,
                     sga, sgb, sgc, ssa, ssb, ssc):
    wid = lax.axis_index("s") * 2 + lax.axis_index("c")
    base = wid * _PPW
    pltpu.sync_copy(pos_hbm.at[wid], pos_v)
    bufs = (rowa_v, rowb_v, rowc_v)
    gsems = (sga, sgb, sgc)
    ssems = (ssa, ssb, ssc)
    cps = [pltpu.async_copy(os_hbm.at[pos_v.at[c]], bufs[c % 3], gsems[c % 3])
           for c in range(min(3, _NCH))]
    scs = [None, None, None]
    for c in range(_NCH):
        cps[c % 3].wait()
        scs[c % 3] = pltpu.async_copy(
            bufs[c % 3], op_hbm.at[pl.ds(base + c * _GCH, _GCH)],
            ssems[c % 3])
        if c + 3 < _NCH:
            scs[c % 3].wait()
            cps[c % 3] = pltpu.async_copy(os_hbm.at[pos_v.at[c + 3]],
                                          bufs[c % 3], gsems[c % 3])
    for c in range(max(0, _NCH - 3), _NCH):
        scs[c % 3].wait()


_sc_mesh = plsc.VectorSubcoreMesh(core_axis_name="c", subcore_axis_name="s")

_sc_dispatch = pl.kernel(
    _sc_dispatch_body, mesh=_sc_mesh,
    out_type=jax.ShapeDtypeStruct((_V_ROWS, _DW), jnp.int32),
    scratch_types=[
        pltpu.VMEM((_NCH, _GCH), jnp.int32),
        pltpu.VMEM((_NCH, _GCH), jnp.int32),
        pltpu.VMEM((_GCH, _DW), jnp.int32),
        pltpu.VMEM((_GCH, _DW), jnp.int32),
        pltpu.VMEM((_GCH, _DW), jnp.int32),
        pltpu.SemaphoreType.DMA,
        pltpu.SemaphoreType.DMA,
        pltpu.SemaphoreType.DMA,
        pltpu.SemaphoreType.DMA,
        pltpu.SemaphoreType.DMA,
        pltpu.SemaphoreType.DMA,
    ],
)

_sc_collect = pl.kernel(
    _sc_collect_body, mesh=_sc_mesh,
    out_type=jax.ShapeDtypeStruct((_P, _OW), jnp.int32),
    scratch_types=[
        pltpu.VMEM((_NCH, _GCH), jnp.int32),
        pltpu.VMEM((_GCH, _OW), jnp.int32),
        pltpu.VMEM((_GCH, _OW), jnp.int32),
        pltpu.VMEM((_GCH, _OW), jnp.int32),
        pltpu.SemaphoreType.DMA,
        pltpu.SemaphoreType.DMA,
        pltpu.SemaphoreType.DMA,
        pltpu.SemaphoreType.DMA,
        pltpu.SemaphoreType.DMA,
        pltpu.SemaphoreType.DMA,
    ],
)


@jax.jit
def kernel(x, Wg1, Wg2, W_gate, W_up, W_down):
    B, S, D = x.shape
    xf = x.reshape(-1, D)
    T = xf.shape[0]
    E = NUM_EXPERTS

    nb_gate = T // _GATE_BT
    (x16i, eidx, esc, vpos, imp, cnt, loss, be, vb,
     wg16, wu16, wd16) = pl.pallas_call(
        _gate_kernel,
        grid=(nb_gate,),
        in_specs=[
            pl.BlockSpec((_GATE_BT, D), lambda i: (i, 0)),
            pl.BlockSpec((E, D), lambda i: (0, 0)),
            pl.BlockSpec((E, E), lambda i: (0, 0)),
            pl.BlockSpec((1, H_PER_EXPERT, D), lambda i: (i, 0, 0)),
            pl.BlockSpec((1, H_PER_EXPERT, D), lambda i: (i, 0, 0)),
            pl.BlockSpec((1, OUTPUT_SIZE, H_PER_EXPERT), lambda i: (i, 0, 0)),
        ],
        out_specs=[
            pl.BlockSpec((_GATE_BT, _DW), lambda i: (i, 0)),
            pl.BlockSpec((_GATE_BT, 2), lambda i: (i, 0)),
            pl.BlockSpec((_GATE_BT, 2), lambda i: (i, 0)),
            pl.BlockSpec((_GATE_BT, 2), lambda i: (i, 0)),
            pl.BlockSpec((8, E), lambda i: (0, 0)),
            pl.BlockSpec((8, E), lambda i: (0, 0)),
            pl.BlockSpec((8, E), lambda i: (0, 0)),
            pl.BlockSpec((8, _NB), lambda i: (0, 0)),
            pl.BlockSpec((8, _NB), lambda i: (0, 0)),
            pl.BlockSpec((1, H_PER_EXPERT, D), lambda i: (i, 0, 0)),
            pl.BlockSpec((1, H_PER_EXPERT, D), lambda i: (i, 0, 0)),
            pl.BlockSpec((1, OUTPUT_SIZE, H_PER_EXPERT), lambda i: (i, 0, 0)),
        ],
        out_shape=[
            jax.ShapeDtypeStruct((T, _DW), jnp.int32),
            jax.ShapeDtypeStruct((T, 2), jnp.int32),
            jax.ShapeDtypeStruct((T, 2), jnp.float32),
            jax.ShapeDtypeStruct((T, 2), jnp.int32),
            jax.ShapeDtypeStruct((8, E), jnp.float32),
            jax.ShapeDtypeStruct((8, E), jnp.int32),
            jax.ShapeDtypeStruct((8, E), jnp.float32),
            jax.ShapeDtypeStruct((8, _NB), jnp.int32),
            jax.ShapeDtypeStruct((8, _NB), jnp.int32),
            jax.ShapeDtypeStruct((E, H_PER_EXPERT, D), jnp.bfloat16),
            jax.ShapeDtypeStruct((E, H_PER_EXPERT, D), jnp.bfloat16),
            jax.ShapeDtypeStruct((E, OUTPUT_SIZE, H_PER_EXPERT), jnp.bfloat16),
        ],
    )(xf, Wg1, Wg2, W_gate, W_up, W_down)

    importance = imp[0]
    load = cnt[0]
    balance_loss = loss[0, 0]

    tok_ids = (jnp.arange(_P, dtype=jnp.int32) // NUM_SELECTS).reshape(
        _NW, _NCH, _GCH)
    pos_w = vpos.reshape(_NW, _NCH, _GCH)

    xs = _sc_dispatch(x16i, tok_ids, pos_w)

    out_slots = pl.pallas_call(
        _ffn_kernel,
        grid_spec=pltpu.PrefetchScalarGridSpec(
            num_scalar_prefetch=2,
            grid=(_NB,),
            in_specs=[
                pl.BlockSpec((_BT, _DW), lambda b, be_, vb_: (vb_[b], 0)),
                pl.BlockSpec((1, H_PER_EXPERT, D),
                             lambda b, be_, vb_: (be_[b], 0, 0)),
                pl.BlockSpec((1, H_PER_EXPERT, D),
                             lambda b, be_, vb_: (be_[b], 0, 0)),
                pl.BlockSpec((1, OUTPUT_SIZE, H_PER_EXPERT),
                             lambda b, be_, vb_: (be_[b], 0, 0)),
            ],
            out_specs=pl.BlockSpec((_BT, _OW),
                                   lambda b, be_, vb_: (vb_[b], 0)),
        ),
        out_shape=jax.ShapeDtypeStruct((_V_ROWS, _OW), jnp.int32),
    )(be[0], vb[0], xs, wg16, wu16, wd16)

    out_pairs = _sc_collect(out_slots, pos_w)

    y = pl.pallas_call(
        _cmb_kernel,
        grid=(T // _CMB_BT,),
        in_specs=[
            pl.BlockSpec((_CMB_BT, 2, _OW), lambda i: (i, 0, 0)),
            pl.BlockSpec((_CMB_BT, 2), lambda i: (i, 0)),
        ],
        out_specs=pl.BlockSpec((_CMB_BT, OUTPUT_SIZE), lambda i: (i, 0)),
        out_shape=jax.ShapeDtypeStruct((T, OUTPUT_SIZE), jnp.float32),
    )(out_pairs.reshape(T, 2, _OW), esc)

    return (y.reshape(B, S, OUTPUT_SIZE), balance_loss, load, importance)

# --- scband reference (transcript-rebuilt; emitter-appended) ---
"""Pipeline reference for scband-linear-glumo-elayer-15307263443374 (READ-ONLY COPY).

The authoritative reference and input builder live on the scoring server;
editing this copy changes nothing except your own understanding.
"""

import jax, jax.numpy as jnp
import numpy as np

INPUT_SIZE = 1024
HIDDEN_SIZE = 4096
OUTPUT_SIZE = 1024
NUM_EXPERTS = 8
NUM_SELECTS = 2
H_PER_EXPERT = HIDDEN_SIZE // NUM_EXPERTS


def setup_inputs(seed: int = 0) -> dict:
    key = jax.random.key(seed)
    ks = jax.random.split(key, 6)
    x = jax.random.normal(ks[0], (2, 2048, INPUT_SIZE), dtype=jnp.float32)
    # TopKBalancedNoisyGate 'mlp' gate network: Linear(D,E,bias=False) -> Tanh -> Linear(E,E,bias=False)
    Wg1 = jax.random.normal(ks[1], (NUM_EXPERTS, INPUT_SIZE), dtype=jnp.float32) * 0.02
    Wg2 = jax.random.normal(ks[2], (NUM_EXPERTS, NUM_EXPERTS), dtype=jnp.float32) * 0.2
    # LinearGLUExperts: per-expert gate/up [h_e, D] and down [D_out, h_e] (torch Linear weight layout)
    W_gate = jax.random.normal(ks[3], (NUM_EXPERTS, H_PER_EXPERT, INPUT_SIZE), dtype=jnp.float32) * 0.02
    W_up = jax.random.normal(ks[4], (NUM_EXPERTS, H_PER_EXPERT, INPUT_SIZE), dtype=jnp.float32) * 0.02
    W_down = jax.random.normal(ks[5], (NUM_EXPERTS, OUTPUT_SIZE, H_PER_EXPERT), dtype=jnp.float32) * 0.02
    return {"x": x, "Wg1": Wg1, "Wg2": Wg2, "W_gate": W_gate, "W_up": W_up, "W_down": W_down}


def cv_squared(v, eps=1e-10):
    v = v.astype(jnp.float32)
    if v.shape[0] == 1:
        return jnp.array(0.0, dtype=jnp.float32)
    return jnp.var(v, ddof=1) / (jnp.mean(v) ** 2 + eps)


def reference(x, Wg1, Wg2, W_gate, W_up, W_down):
    B, S, D = x.shape
    xf = x.reshape(-1, D)
    T = xf.shape[0]
    # --- gate (eval path: weight_noise is zero-init; noise only applied in training) ---
    logits = jnp.tanh(xf @ Wg1.T) @ Wg2.T  # [T, E]
    k1 = min(NUM_SELECTS + 1, NUM_EXPERTS)
    top_logits, top_indices = jax.lax.top_k(logits, k1)
    top_k_logits = top_logits[:, :NUM_SELECTS]
    top_k_indices = top_indices[:, :NUM_SELECTS]
    top_k_scores = jax.nn.softmax(top_k_logits.astype(jnp.float32), axis=1)
    rows = jnp.arange(T)[:, None]
    scores_filtered = jnp.zeros((T, NUM_EXPERTS), dtype=jnp.float32).at[rows, top_k_indices].set(top_k_scores)
    importance = scores_filtered.sum(0)
    load = (scores_filtered > 0).sum(0)
    balance_loss = 0.01 * (cv_squared(importance) + cv_squared(load.astype(jnp.float32)))
    # --- UniversalCalculator: dispatch tokens to selected experts, GLU, weight, combine ---
    # Math-equivalent dense formulation: compute every expert on every token, then gather the
    # top-k expert outputs per token and combine with the softmax scores.
    h_gate = jnp.einsum('td,ehd->eth', xf, W_gate)
    h_up = jnp.einsum('td,ehd->eth', xf, W_up)
    h = jax.nn.silu(h_gate) * h_up
    out_all = jnp.einsum('eth,eoh->eto', h, W_down)  # [E, T, D_out]
    sel = out_all[top_k_indices.T, jnp.arange(T)[None, :], :]  # [K, T, D_out]
    y = jnp.sum(top_k_scores.T[:, :, None] * sel, axis=0)  # [T, D_out]
    y = y.reshape(B, S, OUTPUT_SIZE)
    return (y, balance_loss, load, importance)

if __name__ == "__main__":
    import jax
    _d = setup_inputs()
    print(jax.jit(kernel)(*tuple(_d.values())))

</pallas_src>

<mosaic_0001>
#map = affine_map<(d0, d1) -> (0, 0)>
#map1 = affine_map<(d0, d1) -> (0, 0, 0)>
module attributes {stable_mosaic.version = 14 : i64} {
  func.func @_sc_dispatch_body(%arg0: i32, %arg1: i32, %arg2: memref<4096x512xi32, #tpu.memory_space<hbm>>, %arg3: memref<32x4x64xi32, #tpu.memory_space<hbm>>, %arg4: memref<32x4x64xi32, #tpu.memory_space<hbm>>, %arg5: memref<33024x512xi32, #tpu.memory_space<hbm>>, %arg6: memref<4x64xi32, #tpu.memory_space<vmem>>, %arg7: memref<4x64xi32, #tpu.memory_space<vmem>>, %arg8: memref<64x512xi32, #tpu.memory_space<vmem>>, %arg9: memref<64x512xi32, #tpu.memory_space<vmem>>, %arg10: memref<64x512xi32, #tpu.memory_space<vmem>>, %arg11: memref<!tpu.dma_semaphore, #tpu.memory_space<semaphore_mem>>, %arg12: memref<!tpu.dma_semaphore, #tpu.memory_space<semaphore_mem>>, %arg13: memref<!tpu.dma_semaphore, #tpu.memory_space<semaphore_mem>>, %arg14: memref<!tpu.dma_semaphore, #tpu.memory_space<semaphore_mem>>, %arg15: memref<!tpu.dma_semaphore, #tpu.memory_space<semaphore_mem>>, %arg16: memref<!tpu.dma_semaphore, #tpu.memory_space<semaphore_mem>>) attributes {dimension_semantics = [#tpu.dimension_semantics<core_parallel>, #tpu.dimension_semantics<subcore_parallel>], iteration_bounds = array<i64: 2, 16>, scalar_prefetch = 0 : i64, scratch_operands = 11 : i64, tpu.core_type = #tpu.core_type<sc_vector_subcore>, window_params = [{transform_indices = #map}, {transform_indices = #map1}, {transform_indices = #map1}, {transform_indices = #map}]} {
    %mul3A = arith.constant 2 : i32
    %mul3A_0 = arith.muli %arg1, %mul3A : i32
    %add3A = arith.addi %mul3A_0, %arg0 : i32
    "tpu.region"() ({
      %run_scoped3A = tpu.sem_alloc : memref<!tpu.dma_semaphore, #tpu.memory_space<semaphore_mem>>
      %dma_start3A_111 = arith.constant 0 : i32
      %dma_start3A_112 = arith.constant 0 : i32
      %dma_start3A_113 = tpu.memref_slice %arg3[%add3A, %dma_start3A_111, %dma_start3A_112] : memref<32x4x64xi32, #tpu.memory_space<hbm>> -> memref<1x4x64xi32, #tpu.memory_space<hbm>>
      %dma_start3A_114 = tpu.memref_squeeze %dma_start3A_113 : memref<1x4x64xi32, #tpu.memory_space<hbm>> -> memref<4x64xi32, #tpu.memory_space<hbm>>
      %dma_start3A_115 = arith.constant 0 : i32
      %dma_start3A_116 = arith.constant 0 : i32
      %dma_start3A_117 = tpu.memref_slice %arg3[%add3A, %dma_start3A_115, %dma_start3A_116] : memref<32x4x64xi32, #tpu.memory_space<hbm>> -> memref<1x4x64xi32, #tpu.memory_space<hbm>>
      %dma_start3A_118 = tpu.memref_squeeze %dma_start3A_117 : memref<1x4x64xi32, #tpu.memory_space<hbm>> -> memref<4x64xi32, #tpu.memory_space<hbm>>
      tpu.enqueue_dma source(%dma_start3A_118 : memref<4x64xi32, #tpu.memory_space<hbm>>) target(%arg6 : memref<4x64xi32, #tpu.memory_space<vmem>>) target_semaphore(%run_scoped3A : memref<!tpu.dma_semaphore, #tpu.memory_space<semaphore_mem>>)
      %dma_wait3A_119 = arith.constant 0 : i32
      %dma_wait3A_120 = arith.constant 0 : i32
      %dma_wait3A_121 = tpu.memref_slice %arg3[%add3A, %dma_wait3A_119, %dma_wait3A_120] : memref<32x4x64xi32, #tpu.memory_space<hbm>> -> memref<1x4x64xi32, #tpu.memory_space<hbm>>
      %dma_wait3A_122 = tpu.memref_squeeze %dma_wait3A_121 : memref<1x4x64xi32, #tpu.memory_space<hbm>> -> memref<4x64xi32, #tpu.memory_space<hbm>>
      %dma_wait3A_123 = arith.constant 0 : i32
      %dma_wait3A_124 = arith.constant 0 : i32
      %dma_wait3A_125 = tpu.memref_slice %arg3[%add3A, %dma_wait3A_123, %dma_wait3A_124] : memref<32x4x64xi32, #tpu.memory_space<hbm>> -> memref<1x4x64xi32, #tpu.memory_space<hbm>>
      %dma_wait3A_126 = tpu.memref_squeeze %dma_wait3A_125 : memref<1x4x64xi32, #tpu.memory_space<hbm>> -> memref<4x64xi32, #tpu.memory_space<hbm>>
      tpu.wait_dma2 semaphore(%run_scoped3A : memref<!tpu.dma_semaphore, #tpu.memory_space<semaphore_mem>>) src(%dma_wait3A_126 : memref<4x64xi32, #tpu.memory_space<hbm>>) dst(%arg6 : memref<4x64xi32, #tpu.memory_space<vmem>>)
      tpu.yield
    }) : () -> ()
    "tpu.region"() ({
      %run_scoped3A = tpu.sem_alloc : memref<!tpu.dma_semaphore, #tpu.memory_space<semaphore_mem>>
      %dma_start3A_111 = arith.constant 0 : i32
      %dma_start3A_112 = arith.constant 0 : i32
      %dma_start3A_113 = tpu.memref_slice %arg4[%add3A, %dma_start3A_111, %dma_start3A_112] : memref<32x4x64xi32, #tpu.memory_space<hbm>> -> memref<1x4x64xi32, #tpu.memory_space<hbm>>
      %dma_start3A_114 = tpu.memref_squeeze %dma_start3A_113 : memref<1x4x64xi32, #tpu.memory_space<hbm>> -> memref<4x64xi32, #tpu.memory_space<hbm>>
      %dma_start3A_115 = arith.constant 0 : i32
      %dma_start3A_116 = arith.constant 0 : i32
      %dma_start3A_117 = tpu.memref_slice %arg4[%add3A, %dma_start3A_115, %dma_start3A_116] : memref<32x4x64xi32, #tpu.memory_space<hbm>> -> memref<1x4x64xi32, #tpu.memory_space<hbm>>
      %dma_start3A_118 = tpu.memref_squeeze %dma_start3A_117 : memref<1x4x64xi32, #tpu.memory_space<hbm>> -> memref<4x64xi32, #tpu.memory_space<hbm>>
      tpu.enqueue_dma source(%dma_start3A_118 : memref<4x64xi32, #tpu.memory_space<hbm>>) target(%arg7 : memref<4x64xi32, #tpu.memory_space<vmem>>) target_semaphore(%run_scoped3A : memref<!tpu.dma_semaphore, #tpu.memory_space<semaphore_mem>>)
      %dma_wait3A_119 = arith.constant 0 : i32
      %dma_wait3A_120 = arith.constant 0 : i32
      %dma_wait3A_121 = tpu.memref_slice %arg4[%add3A, %dma_wait3A_119, %dma_wait3A_120] : memref<32x4x64xi32, #tpu.memory_space<hbm>> -> memref<1x4x64xi32, #tpu.memory_space<hbm>>
      %dma_wait3A_122 = tpu.memref_squeeze %dma_wait3A_121 : memref<1x4x64xi32, #tpu.memory_space<hbm>> -> memref<4x64xi32, #tpu.memory_space<hbm>>
      %dma_wait3A_123 = arith.constant 0 : i32
      %dma_wait3A_124 = arith.constant 0 : i32
      %dma_wait3A_125 = tpu.memref_slice %arg4[%add3A, %dma_wait3A_123, %dma_wait3A_124] : memref<32x4x64xi32, #tpu.memory_space<hbm>> -> memref<1x4x64xi32, #tpu.memory_space<hbm>>
      %dma_wait3A_126 = tpu.memref_squeeze %dma_wait3A_125 : memref<1x4x64xi32, #tpu.memory_space<hbm>> -> memref<4x64xi32, #tpu.memory_space<hbm>>
      tpu.wait_dma2 semaphore(%run_scoped3A : memref<!tpu.dma_semaphore, #tpu.memory_space<semaphore_mem>>) src(%dma_wait3A_126 : memref<4x64xi32, #tpu.memory_space<hbm>>) dst(%arg7 : memref<4x64xi32, #tpu.memory_space<vmem>>)
      tpu.yield
    }) : () -> ()
    %dma_start3A = arith.constant 0 : i32
    %dma_start3A_1 = arith.constant 0 : i32
    %dma_start3A_2 = tpu.memref_slice %arg6[%dma_start3A, %dma_start3A_1] : memref<4x64xi32, #tpu.memory_space<vmem>> -> memref<1x64xi32, #tpu.memory_space<vmem>>
    %dma_start3A_3 = tpu.memref_squeeze %dma_start3A_2 : memref<1x64xi32, #tpu.memory_space<vmem>> -> memref<64xi32, #tpu.memory_space<vmem>>
    %dma_start3A_4 = arith.constant 0 : i32
    %dma_start3A_5 = arith.constant 0 : i32
    %dma_start3A_6 = tpu.memref_slice %arg2[%dma_start3A_4, %dma_start3A_5] : memref<4096x512xi32, #tpu.memory_space<hbm>> -> memref<4096x512xi32, #tpu.memory_space<hbm>>
    tpu.enqueue_indirect_dma source(%dma_start3A_6 : memref<4096x512xi32, #tpu.memory_space<hbm>>) target(%arg8 : memref<64x512xi32, #tpu.memory_space<vmem>>) offsets(%dma_start3A_3 : memref<64xi32, #tpu.memory_space<vmem>>) semaphore(%arg11 : memref<!tpu.dma_semaphore, #tpu.memory_space<semaphore_mem>>)
    %dma_start3A_7 = arith.constant 1 : i32
    %dma_start3A_8 = arith.constant 0 : i32
    %dma_start3A_9 = tpu.memref_slice %arg6[%dma_start3A_7, %dma_start3A_8] : memref<4x64xi32, #tpu.memory_space<vmem>> -> memref<1x64xi32, #tpu.memory_space<vmem>>
    %dma_start3A_10 = tpu.memref_squeeze %dma_start3A_9 : memref<1x64xi32, #tpu.memory_space<vmem>> -> memref<64xi32, #tpu.memory_space<vmem>>
    %dma_start3A_11 = arith.constant 0 : i32
    %dma_start3A_12 = arith.constant 0 : i32
    %dma_start3A_13 = tpu.memref_slice %arg2[%dma_start3A_11, %dma_start3A_12] : memref<4096x512xi32, #tpu.memory_space<hbm>> -> memref<4096x512xi32, #tpu.memory_space<hbm>>
    tpu.enqueue_indirect_dma source(%dma_start3A_13 : memref<4096x512xi32, #tpu.memory_space<hbm>>) target(%arg9 : memref<64x512xi32, #tpu.memory_space<vmem>>) offsets(%dma_start3A_10 : memref<64xi32, #tpu.memory_space<vmem>>) semaphore(%arg12 : memref<!tpu.dma_semaphore, #tpu.memory_space<semaphore_mem>>)
    %dma_start3A_14 = arith.constant 2 : i32
    %dma_start3A_15 = arith.constant 0 : i32
    %dma_start3A_16 = tpu.memref_slice %arg6[%dma_start3A_14, %dma_start3A_15] : memref<4x64xi32, #tpu.memory_space<vmem>> -> memref<1x64xi32, #tpu.memory_space<vmem>>
    %dma_start3A_17 = tpu.memref_squeeze %dma_start3A_16 : memref<1x64xi32, #tpu.memory_space<vmem>> -> memref<64xi32, #tpu.memory_space<vmem>>
    %dma_start3A_18 = arith.constant 0 : i32
    %dma_start3A_19 = arith.constant 0 : i32
    %dma_start3A_20 = tpu.memref_slice %arg2[%dma_start3A_18, %dma_start3A_19] : memref<4096x512xi32, #tpu.memory_space<hbm>> -> memref<4096x512xi32, #tpu.memory_space<hbm>>
    tpu.enqueue_indirect_dma source(%dma_start3A_20 : memref<4096x512xi32, #tpu.memory_space<hbm>>) target(%arg10 : memref<64x512xi32, #tpu.memory_space<vmem>>) offsets(%dma_start3A_17 : memref<64xi32, #tpu.memory_space<vmem>>) semaphore(%arg13 : memref<!tpu.dma_semaphore, #tpu.memory_space<semaphore_mem>>)
    %dma_wait3A = arith.constant 0 : i32
    %dma_wait3A_21 = arith.constant 0 : i32
    %dma_wait3A_22 = tpu.memref_slice %arg6[%dma_wait3A, %dma_wait3A_21] : memref<4x64xi32, #tpu.memory_space<vmem>> -> memref<1x64xi32, #tpu.memory_space<vmem>>
    %dma_wait3A_23 = tpu.memref_squeeze %dma_wait3A_22 : memref<1x64xi32, #tpu.memory_space<vmem>> -> memref<64xi32, #tpu.memory_space<vmem>>
    %dma_wait3A_24 = arith.constant 0 : i32
    %dma_wait3A_25 = arith.constant 0 : i32
    %dma_wait3A_26 = tpu.memref_slice %arg2[%dma_wait3A_24, %dma_wait3A_25] : memref<4096x512xi32, #tpu.memory_space<hbm>> -> memref<4096x512xi32, #tpu.memory_space<hbm>>
    tpu.wait_indirect_dma semaphore(%arg11 : memref<!tpu.dma_semaphore, #tpu.memory_space<semaphore_mem>>) src(%dma_wait3A_26 : memref<4096x512xi32, #tpu.memory_space<hbm>>) dst(%arg8 : memref<64x512xi32, #tpu.memory_space<vmem>>)
    %dma_start3A_27 = arith.constant 0 : i32
    %dma_start3A_28 = arith.constant 0 : i32
    %dma_start3A_29 = tpu.memref_slice %arg7[%dma_start3A_27, %dma_start3A_28] : memref<4x64xi32, #tpu.memory_space<vmem>> -> memref<1x64xi32, #tpu.memory_space<vmem>>
    %dma_start3A_30 = tpu.memref_squeeze %dma_start3A_29 : memref<1x64xi32, #tpu.memory_space<vmem>> -> memref<64xi32, #tpu.memory_space<vmem>>
    %dma_start3A_31 = arith.constant 0 : i32
    %dma_start3A_32 = arith.constant 0 : i32
    %dma_start3A_33 = tpu.memref_slice %arg5[%dma_start3A_31, %dma_start3A_32] : memref<33024x512xi32, #tpu.memory_space<hbm>> -> memref<33024x512xi32, #tpu.memory_space<hbm>>
    tpu.enqueue_indirect_dma source(%arg8 : memref<64x512xi32, #tpu.memory_space<vmem>>) target(%dma_start3A_33 : memref<33024x512xi32, #tpu.memory_space<hbm>>) offsets(%dma_start3A_30 : memref<64xi32, #tpu.memory_space<vmem>>) semaphore(%arg14 : memref<!tpu.dma_semaphore, #tpu.memory_space<semaphore_mem>>)
    %dma_wait3A_34 = arith.constant 0 : i32
    %dma_wait3A_35 = arith.constant 0 : i32
    %dma_wait3A_36 = tpu.memref_slice %arg7[%dma_wait3A_34, %dma_wait3A_35] : memref<4x64xi32, #tpu.memory_space<vmem>> -> memref<1x64xi32, #tpu.memory_space<vmem>>
    %dma_wait3A_37 = tpu.memref_squeeze %dma_wait3A_36 : memref<1x64xi32, #tpu.memory_space<vmem>> -> memref<64xi32, #tpu.memory_space<vmem>>
    %dma_wait3A_38 = arith.constant 0 : i32
    %dma_wait3A_39 = arith.constant 0 : i32
    %dma_wait3A_40 = tpu.memref_slice %arg5[%dma_wait3A_38, %dma_wait3A_39] : memref<33024x512xi32, #tpu.memory_space<hbm>> -> memref<33024x512xi32, #tpu.memory_space<hbm>>
    tpu.wait_indirect_dma semaphore(%arg14 : memref<!tpu.dma_semaphore, #tpu.memory_space<semaphore_mem>>) src(%arg8 : memref<64x512xi32, #tpu.memory_space<vmem>>) dst(%dma_wait3A_40 : memref<33024x512xi32, #tpu.memory_space<hbm>>)
    %dma_start3A_41 = arith.constant 3 : i32
    %dma_start3A_42 = arith.constant 0 : i32
    %dma_start3A_43 = tpu.memref_slice %arg6[%dma_start3A_41, %dma_start3A_42] : memref<4x64xi32, #tpu.memory_space<vmem>> -> memref<1x64xi32, #tpu.memory_space<vmem>>
    %dma_start3A_44 = tpu.memref_squeeze %dma_start3A_43 : memref<1x64xi32, #tpu.memory_space<vmem>> -> memref<64xi32, #tpu.memory_space<vmem>>
    %dma_start3A_45 = arith.constant 0 : i32
    %dma_start3A_46 = arith.constant 0 : i32
    %dma_start3A_47 = tpu.memref_slice %arg2[%dma_start3A_45, %dma_start3A_46] : memref<4096x512xi32, #tpu.memory_space<hbm>> -> memref<4096x512xi32, #tpu.memory_space<hbm>>
    tpu.enqueue_indirect_dma source(%dma_start3A_47 : memref<4096x512xi32, #tpu.memory_space<hbm>>) target(%arg8 : memref<64x512xi32, #tpu.memory_space<vmem>>) offsets(%dma_start3A_44 : memref<64xi32, #tpu.memory_space<vmem>>) semaphore(%arg11 : memref<!tpu.dma_semaphore, #tpu.memory_space<semaphore_mem>>)
    %dma_wait3A_48 = arith.constant 1 : i32
    %dma_wait3A_49 = arith.constant 0 : i32
    %dma_wait3A_50 = tpu.memref_slice %arg6[%dma_wait3A_48, %dma_wait3A_49] : memref<4x64xi32, #tpu.memory_space<vmem>> -> memref<1x64xi32, #tpu.memory_space<vmem>>
    %dma_wait3A_51 = tpu.memref_squeeze %dma_wait3A_50 : memref<1x64xi32, #tpu.memory_space<vmem>> -> memref<64xi32, #tpu.memory_space<vmem>>
    %dma_wait3A_52 = arith.constant 0 : i32
    %dma_wait3A_53 = arith.constant 0 : i32
    %dma_wait3A_54 = tpu.memref_slice %arg2[%dma_wait3A_52, %dma_wait3A_53] : memref<4096x512xi32, #tpu.memory_space<hbm>> -> memref<4096x512xi32, #tpu.memory_space<hbm>>
    tpu.wait_indirect_dma semaphore(%arg12 : memref<!tpu.dma_semaphore, #tpu.memory_space<semaphore_mem>>) src(%dma_wait3A_54 : memref<4096x512xi32, #tpu.memory_space<hbm>>) dst(%arg9 : memref<64x512xi32, #tpu.memory_space<vmem>>)
    %dma_start3A_55 = arith.constant 1 : i32
    %dma_start3A_56 = arith.constant 0 : i32
    %dma_start3A_57 = tpu.memref_slice %arg7[%dma_start3A_55, %dma_start3A_56] : memref<4x64xi32, #tpu.memory_space<vmem>> -> memref<1x64xi32, #tpu.memory_space<vmem>>
    %dma_start3A_58 = tpu.memref_squeeze %dma_start3A_57 : memref<1x64xi32, #tpu.memory_space<vmem>> -> memref<64xi32, #tpu.memory_space<vmem>>
    %dma_start3A_59 = arith.constant 0 : i32
    %dma_start3A_60 = arith.constant 0 : i32
    %dma_start3A_61 = tpu.memref_slice %arg5[%dma_start3A_59, %dma_start3A_60] : memref<33024x512xi32, #tpu.memory_space<hbm>> -> memref<33024x512xi32, #tpu.memory_space<hbm>>
    tpu.enqueue_indirect_dma source(%arg9 : memref<64x512xi32, #tpu.memory_space<vmem>>) target(%dma_start3A_61 : memref<33024x512xi32, #tpu.memory_space<hbm>>) offsets(%dma_start3A_58 : memref<64xi32, #tpu.memory_space<vmem>>) semaphore(%arg15 : memref<!tpu.dma_semaphore, #tpu.memory_space<semaphore_mem>>)
    %dma_wait3A_62 = arith.constant 2 : i32
    %dma_wait3A_63 = arith.constant 0 : i32
    %dma_wait3A_64 = tpu.memref_slice %arg6[%dma_wait3A_62, %dma_wait3A_63] : memref<4x64xi32, #tpu.memory_space<vmem>> -> memref<1x64xi32, #tpu.memory_space<vmem>>
    %dma_wait3A_65 = tpu.memref_squeeze %dma_wait3A_64 : memref<1x64xi32, #tpu.memory_space<vmem>> -> memref<64xi32, #tpu.memory_space<vmem>>
    %dma_wait3A_66 = arith.constant 0 : i32
    %dma_wait3A_67 = arith.constant 0 : i32
    %dma_wait3A_68 = tpu.memref_slice %arg2[%dma_wait3A_66, %dma_wait3A_67] : memref<4096x512xi32, #tpu.memory_space<hbm>> -> memref<4096x512xi32, #tpu.memory_space<hbm>>
    tpu.wait_indirect_dma semaphore(%arg13 : memref<!tpu.dma_semaphore, #tpu.memory_space<semaphore_mem>>) src(%dma_wait3A_68 : memref<4096x512xi32, #tpu.memory_space<hbm>>) dst(%arg10 : memref<64x512xi32, #tpu.memory_space<vmem>>)
    %dma_start3A_69 = arith.constant 2 : i32
    %dma_start3A_70 = arith.constant 0 : i32
    %dma_start3A_71 = tpu.memref_slice %arg7[%dma_start3A_69, %dma_start3A_70] : memref<4x64xi32, #tpu.memory_space<vmem>> -> memref<1x64xi32, #tpu.memory_space<vmem>>
    %dma_start3A_72 = tpu.memref_squeeze %dma_start3A_71 : memref<1x64xi32, #tpu.memory_space<vmem>> -> memref<64xi32, #tpu.memory_space<vmem>>
    %dma_start3A_73 = arith.constant 0 : i32
    %dma_start3A_74 = arith.constant 0 : i32
    %dma_start3A_75 = tpu.memref_slice %arg5[%dma_start3A_73, %dma_start3A_74] : memref<33024x512xi32, #tpu.memory_space<hbm>> -> memref<33024x512xi32, #tpu.memory_space<hbm>>
    tpu.enqueue_indirect_dma source(%arg10 : memref<64x512xi32, #tpu.memory_space<vmem>>) target(%dma_start3A_75 : memref<33024x512xi32, #tpu.memory_space<hbm>>) offsets(%dma_start3A_72 : memref<64xi32, #tpu.memory_space<vmem>>) semaphore(%arg16 : memref<!tpu.dma_semaphore, #tpu.memory_space<semaphore_mem>>)
    %dma_wait3A_76 = arith.constant 3 : i32
    %dma_wait3A_77 = arith.constant 0 : i32
    %dma_wait3A_78 = tpu.memref_slice %arg6[%dma_wait3A_76, %dma_wait3A_77] : memref<4x64xi32, #tpu.memory_space<vmem>> -> memref<1x64xi32, #tpu.memory_space<vmem>>
    %dma_wait3A_79 = tpu.memref_squeeze %dma_wait3A_78 : memref<1x64xi32, #tpu.memory_space<vmem>> -> memref<64xi32, #tpu.memory_space<vmem>>
    %dma_wait3A_80 = arith.constant 0 : i32
    %dma_wait3A_81 = arith.constant 0 : i32
    %dma_wait3A_82 = tpu.memref_slice %arg2[%dma_wait3A_80, %dma_wait3A_81] : memref<4096x512xi32, #tpu.memory_space<hbm>> -> memref<4096x512xi32, #tpu.memory_space<hbm>>
    tpu.wait_indirect_dma semaphore(%arg11 : memref<!tpu.dma_semaphore, #tpu.memory_space<semaphore_mem>>) src(%dma_wait3A_82 : memref<4096x512xi32, #tpu.memory_space<hbm>>) dst(%arg8 : memref<64x512xi32, #tpu.memory_space<vmem>>)
    %dma_start3A_83 = arith.constant 3 : i32
    %dma_start3A_84 = arith.constant 0 : i32
    %dma_start3A_85 = tpu.memref_slice %arg7[%dma_start3A_83, %dma_start3A_84] : memref<4x64xi32, #tpu.memory_space<vmem>> -> memref<1x64xi32, #tpu.memory_space<vmem>>
    %dma_start3A_86 = tpu.memref_squeeze %dma_start3A_85 : memref<1x64xi32, #tpu.memory_space<vmem>> -> memref<64xi32, #tpu.memory_space<vmem>>
    %dma_start3A_87 = arith.constant 0 : i32
    %dma_start3A_88 = arith.constant 0 : i32
    %dma_start3A_89 = tpu.memref_slice %arg5[%dma_start3A_87, %dma_start3A_88] : memref<33024x512xi32, #tpu.memory_space<hbm>> -> memref<33024x512xi32, #tpu.memory_space<hbm>>
    tpu.enqueue_indirect_dma source(%arg8 : memref<64x512xi32, #tpu.memory_space<vmem>>) target(%dma_start3A_89 : memref<33024x512xi32, #tpu.memory_space<hbm>>) offsets(%dma_start3A_86 : memref<64xi32, #tpu.memory_space<vmem>>) semaphore(%arg14 : memref<!tpu.dma_semaphore, #tpu.memory_space<semaphore_mem>>)
    %dma_wait3A_90 = arith.constant 1 : i32
    %dma_wait3A_91 = arith.constant 0 : i32
    %dma_wait3A_92 = tpu.memref_slice %arg7[%dma_wait3A_90, %dma_wait3A_91] : memref<4x64xi32, #tpu.memory_space<vmem>> -> memref<1x64xi32, #tpu.memory_space<vmem>>
    %dma_wait3A_93 = tpu.memref_squeeze %dma_wait3A_92 : memref<1x64xi32, #tpu.memory_space<vmem>> -> memref<64xi32, #tpu.memory_space<vmem>>
    %dma_wait3A_94 = arith.constant 0 : i32
    %dma_wait3A_95 = arith.constant 0 : i32
    %dma_wait3A_96 = tpu.memref_slice %arg5[%dma_wait3A_94, %dma_wait3A_95] : memref<33024x512xi32, #tpu.memory_space<hbm>> -> memref<33024x512xi32, #tpu.memory_space<hbm>>
    tpu.wait_indirect_dma semaphore(%arg15 : memref<!tpu.dma_semaphore, #tpu.memory_space<semaphore_mem>>) src(%arg9 : memref<64x512xi32, #tpu.memory_space<vmem>>) dst(%dma_wait3A_96 : memref<33024x512xi32, #tpu.memory_space<hbm>>)
    %dma_wait3A_97 = arith.constant 2 : i32
    %dma_wait3A_98 = arith.constant 0 : i32
    %dma_wait3A_99 = tpu.memref_slice %arg7[%dma_wait3A_97, %dma_wait3A_98] : memref<4x64xi32, #tpu.memory_space<vmem>> -> memref<1x64xi32, #tpu.memory_space<vmem>>
    %dma_wait3A_100 = tpu.memref_squeeze %dma_wait3A_99 : memref<1x64xi32, #tpu.memory_space<vmem>> -> memref<64xi32, #tpu.memory_space<vmem>>
    %dma_wait3A_101 = arith.constant 0 : i32
    %dma_wait3A_102 = arith.constant 0 : i32
    %dma_wait3A_103 = tpu.memref_slice %arg5[%dma_wait3A_101, %dma_wait3A_102] : memref<33024x512xi32, #tpu.memory_space<hbm>> -> memref<33024x512xi32, #tpu.memory_space<hbm>>
    tpu.wait_indirect_dma semaphore(%arg16 : memref<!tpu.dma_semaphore, #tpu.memory_space<semaphore_mem>>) src(%arg10 : memref<64x512xi32, #tpu.memory_space<vmem>>) dst(%dma_wait3A_103 : memref<33024x512xi32, #tpu.memory_space<hbm>>)
    %dma_wait3A_104 = arith.constant 3 : i32
    %dma_wait3A_105 = arith.constant 0 : i32
    %dma_wait3A_106 = tpu.memref_slice %arg7[%dma_wait3A_104, %dma_wait3A_105] : memref<4x64xi32, #tpu.memory_space<vmem>> -> memref<1x64xi32, #tpu.memory_space<vmem>>
    %dma_wait3A_107 = tpu.memref_squeeze %dma_wait3A_106 : memref<1x64xi32, #tpu.memory_space<vmem>> -> memref<64xi32, #tpu.memory_space<vmem>>
    %dma_wait3A_108 = arith.constant 0 : i32
    %dma_wait3A_109 = arith.constant 0 : i32
    %dma_wait3A_110 = tpu.memref_slice %arg5[%dma_wait3A_108, %dma_wait3A_109] : memref<33024x512xi32, #tpu.memory_space<hbm>> -> memref<33024x512xi32, #tpu.memory_space<hbm>>
    tpu.wait_indirect_dma semaphore(%arg14 : memref<!tpu.dma_semaphore, #tpu.memory_space<semaphore_mem>>) src(%arg8 : memref<64x512xi32, #tpu.memory_space<vmem>>) dst(%dma_wait3A_110 : memref<33024x512xi32, #tpu.memory_space<hbm>>)
    return
  }
}

#map = affine_map<(d0, d1) -> (0, 0)>
#map1 = affine_map<(d0, d1) -> (0, 0, 0)>
module attributes {stable_mosaic.version = 14 : i64} {
  func.func @_sc_collect_body(%arg0: i32, %arg1: i32, %arg2: memref<33024x512xi32, #tpu.memory_space<hbm>>, %arg3: memref<32x4x64xi32, #tpu.memory_space<hbm>>, %arg4: memref<8192x512xi32, #tpu.memory_space<hbm>>, %arg5: memref<4x64xi32, #tpu.memory_space<vmem>>, %arg6: memref<64x512xi32, #tpu.memory_space<vmem>>, %arg7: memref<64x512xi32, #tpu.memory_space<vmem>>, %arg8: memref<64x512xi32, #tpu.memory_space<vmem>>, %arg9: memref<!tpu.dma_semaphore, #tpu.memory_space<semaphore_mem>>, %arg10: memref<!tpu.dma_semaphore, #tpu.memory_space<semaphore_mem>>, %arg11: memref<!tpu.dma_semaphore, #tpu.memory_space<semaphore_mem>>, %arg12: memref<!tpu.dma_semaphore, #tpu.memory_space<semaphore_mem>>, %arg13: memref<!tpu.dma_semaphore, #tpu.memory_space<semaphore_mem>>, %arg14: memref<!tpu.dma_semaphore, #tpu.memory_space<semaphore_mem>>) attributes {dimension_semantics = [#tpu.dimension_semantics<core_parallel>, #tpu.dimension_semantics<subcore_parallel>], iteration_bounds = array<i64: 2, 16>, scalar_prefetch = 0 : i64, scratch_operands = 10 : i64, tpu.core_type = #tpu.core_type<sc_vector_subcore>, window_params = [{transform_indices = #map}, {transform_indices = #map1}, {transform_indices = #map}]} {
    %mul3A = arith.constant 2 : i32
    %mul3A_0 = arith.muli %arg1, %mul3A : i32
    %add3A = arith.addi %mul3A_0, %arg0 : i32
    %mul3A_1 = arith.constant 256 : i32
    %mul3A_2 = arith.muli %add3A, %mul3A_1 : i32
    "tpu.region"() ({
      %run_scoped3A = tpu.sem_alloc : memref<!tpu.dma_semaphore, #tpu.memory_space<semaphore_mem>>
      %dma_start3A_97 = arith.constant 0 : i32
      %dma_start3A_98 = arith.constant 0 : i32
      %dma_start3A_99 = tpu.memref_slice %arg3[%add3A, %dma_start3A_97, %dma_start3A_98] : memref<32x4x64xi32, #tpu.memory_space<hbm>> -> memref<1x4x64xi32, #tpu.memory_space<hbm>>
      %dma_start3A_100 = tpu.memref_squeeze %dma_start3A_99 : memref<1x4x64xi32, #tpu.memory_space<hbm>> -> memref<4x64xi32, #tpu.memory_space<hbm>>
      %dma_start3A_101 = arith.constant 0 : i32
      %dma_start3A_102 = arith.constant 0 : i32
      %dma_start3A_103 = tpu.memref_slice %arg3[%add3A, %dma_start3A_101, %dma_start3A_102] : memref<32x4x64xi32, #tpu.memory_space<hbm>> -> memref<1x4x64xi32, #tpu.memory_space<hbm>>
      %dma_start3A_104 = tpu.memref_squeeze %dma_start3A_103 : memref<1x4x64xi32, #tpu.memory_space<hbm>> -> memref<4x64xi32, #tpu.memory_space<hbm>>
      tpu.enqueue_dma source(%dma_start3A_104 : memref<4x64xi32, #tpu.memory_space<hbm>>) target(%arg5 : memref<4x64xi32, #tpu.memory_space<vmem>>) target_semaphore(%run_scoped3A : memref<!tpu.dma_semaphore, #tpu.memory_space<semaphore_mem>>)
      %dma_wait3A_105 = arith.constant 0 : i32
      %dma_wait3A_106 = arith.constant 0 : i32
      %dma_wait3A_107 = tpu.memref_slice %arg3[%add3A, %dma_wait3A_105, %dma_wait3A_106] : memref<32x4x64xi32, #tpu.memory_space<hbm>> -> memref<1x4x64xi32, #tpu.memory_space<hbm>>
      %dma_wait3A_108 = tpu.memref_squeeze %dma_wait3A_107 : memref<1x4x64xi32, #tpu.memory_space<hbm>> -> memref<4x64xi32, #tpu.memory_space<hbm>>
      %dma_wait3A_109 = arith.constant 0 : i32
      %dma_wait3A_110 = arith.constant 0 : i32
      %dma_wait3A_111 = tpu.memref_slice %arg3[%add3A, %dma_wait3A_109, %dma_wait3A_110] : memref<32x4x64xi32, #tpu.memory_space<hbm>> -> memref<1x4x64xi32, #tpu.memory_space<hbm>>
      %dma_wait3A_112 = tpu.memref_squeeze %dma_wait3A_111 : memref<1x4x64xi32, #tpu.memory_space<hbm>> -> memref<4x64xi32, #tpu.memory_space<hbm>>
      tpu.wait_dma2 semaphore(%run_scoped3A : memref<!tpu.dma_semaphore, #tpu.memory_space<semaphore_mem>>) src(%dma_wait3A_112 : memref<4x64xi32, #tpu.memory_space<hbm>>) dst(%arg5 : memref<4x64xi32, #tpu.memory_space<vmem>>)
      tpu.yield
    }) : () -> ()
    %dma_start3A = arith.constant 0 : i32
    %dma_start3A_3 = arith.constant 0 : i32
    %dma_start3A_4 = tpu.memref_slice %arg5[%dma_start3A, %dma_start3A_3] : memref<4x64xi32, #tpu.memory_space<vmem>> -> memref<1x64xi32, #tpu.memory_space<vmem>>
    %dma_start3A_5 = tpu.memref_squeeze %dma_start3A_4 : memref<1x64xi32, #tpu.memory_space<vmem>> -> memref<64xi32, #tpu.memory_space<vmem>>
    %dma_start3A_6 = arith.constant 0 : i32
    %dma_start3A_7 = arith.constant 0 : i32
    %dma_start3A_8 = tpu.memref_slice %arg2[%dma_start3A_6, %dma_start3A_7] : memref<33024x512xi32, #tpu.memory_space<hbm>> -> memref<33024x512xi32, #tpu.memory_space<hbm>>
    tpu.enqueue_indirect_dma source(%dma_start3A_8 : memref<33024x512xi32, #tpu.memory_space<hbm>>) target(%arg6 : memref<64x512xi32, #tpu.memory_space<vmem>>) offsets(%dma_start3A_5 : memref<64xi32, #tpu.memory_space<vmem>>) semaphore(%arg9 : memref<!tpu.dma_semaphore, #tpu.memory_space<semaphore_mem>>)
    %dma_start3A_9 = arith.constant 1 : i32
    %dma_start3A_10 = arith.constant 0 : i32
    %dma_start3A_11 = tpu.memref_slice %arg5[%dma_start3A_9, %dma_start3A_10] : memref<4x64xi32, #tpu.memory_space<vmem>> -> memref<1x64xi32, #tpu.memory_space<vmem>>
    %dma_start3A_12 = tpu.memref_squeeze %dma_start3A_11 : memref<1x64xi32, #tpu.memory_space<vmem>> -> memref<64xi32, #tpu.memory_space<vmem>>
    %dma_start3A_13 = arith.constant 0 : i32
    %dma_start3A_14 = arith.constant 0 : i32
    %dma_start3A_15 = tpu.memref_slice %arg2[%dma_start3A_13, %dma_start3A_14] : memref<33024x512xi32, #tpu.memory_space<hbm>> -> memref<33024x512xi32, #tpu.memory_space<hbm>>
    tpu.enqueue_indirect_dma source(%dma_start3A_15 : memref<33024x512xi32, #tpu.memory_space<hbm>>) target(%arg7 : memref<64x512xi32, #tpu.memory_space<vmem>>) offsets(%dma_start3A_12 : memref<64xi32, #tpu.memory_space<vmem>>) semaphore(%arg10 : memref<!tpu.dma_semaphore, #tpu.memory_space<semaphore_mem>>)
    %dma_start3A_16 = arith.constant 2 : i32
    %dma_start3A_17 = arith.constant 0 : i32
    %dma_start3A_18 = tpu.memref_slice %arg5[%dma_start3A_16, %dma_start3A_17] : memref<4x64xi32, #tpu.memory_space<vmem>> -> memref<1x64xi32, #tpu.memory_space<vmem>>
    %dma_start3A_19 = tpu.memref_squeeze %dma_start3A_18 : memref<1x64xi32, #tpu.memory_space<vmem>> -> memref<64xi32, #tpu.memory_space<vmem>>
    %dma_start3A_20 = arith.constant 0 : i32
    %dma_start3A_21 = arith.constant 0 : i32
    %dma_start3A_22 = tpu.memref_slice %arg2[%dma_start3A_20, %dma_start3A_21] : memref<33024x512xi32, #tpu.memory_space<hbm>> -> memref<33024x512xi32, #tpu.memory_space<hbm>>
    tpu.enqueue_indirect_dma source(%dma_start3A_22 : memref<33024x512xi32, #tpu.memory_space<hbm>>) target(%arg8 : memref<64x512xi32, #tpu.memory_space<vmem>>) offsets(%dma_start3A_19 : memref<64xi32, #tpu.memory_space<vmem>>) semaphore(%arg11 : memref<!tpu.dma_semaphore, #tpu.memory_space<semaphore_mem>>)
    %dma_wait3A = arith.constant 0 : i32
    %dma_wait3A_23 = arith.constant 0 : i32
    %dma_wait3A_24 = tpu.memref_slice %arg5[%dma_wait3A, %dma_wait3A_23] : memref<4x64xi32, #tpu.memory_space<vmem>> -> memref<1x64xi32, #tpu.memory_space<vmem>>
    %dma_wait3A_25 = tpu.memref_squeeze %dma_wait3A_24 : memref<1x64xi32, #tpu.memory_space<vmem>> -> memref<64xi32, #tpu.memory_space<vmem>>
    %dma_wait3A_26 = arith.constant 0 : i32
    %dma_wait3A_27 = arith.constant 0 : i32
    %dma_wait3A_28 = tpu.memref_slice %arg2[%dma_wait3A_26, %dma_wait3A_27] : memref<33024x512xi32, #tpu.memory_space<hbm>> -> memref<33024x512xi32, #tpu.memory_space<hbm>>
    tpu.wait_indirect_dma semaphore(%arg9 : memref<!tpu.dma_semaphore, #tpu.memory_space<semaphore_mem>>) src(%dma_wait3A_28 : memref<33024x512xi32, #tpu.memory_space<hbm>>) dst(%arg6 : memref<64x512xi32, #tpu.memory_space<vmem>>)
    %add3A_29 = arith.constant 0 : i32
    %add3A_30 = arith.addi %mul3A_2, %add3A_29 : i32
    %dma_start3A_31 = arith.constant 0 : i32
    %dma_start3A_32 = tpu.memref_slice %arg4[%add3A_30, %dma_start3A_31] : memref<8192x512xi32, #tpu.memory_space<hbm>> -> memref<64x512xi32, #tpu.memory_space<hbm>>
    %dma_start3A_33 = arith.constant 0 : i32
    %dma_start3A_34 = tpu.memref_slice %arg4[%add3A_30, %dma_start3A_33] : memref<8192x512xi32, #tpu.memory_space<hbm>> -> memref<64x512xi32, #tpu.memory_space<hbm>>
    tpu.enqueue_dma source(%arg6 : memref<64x512xi32, #tpu.memory_space<vmem>>) target(%dma_start3A_34 : memref<64x512xi32, #tpu.memory_space<hbm>>) target_semaphore(%arg12 : memref<!tpu.dma_semaphore, #tpu.memory_space<semaphore_mem>>)
    %dma_wait3A_35 = arith.constant 0 : i32
    %dma_wait3A_36 = tpu.memref_slice %arg4[%add3A_30, %dma_wait3A_35] : memref<8192x512xi32, #tpu.memory_space<hbm>> -> memref<64x512xi32, #tpu.memory_space<hbm>>
    %dma_wait3A_37 = arith.constant 0 : i32
    %dma_wait3A_38 = tpu.memref_slice %arg4[%add3A_30, %dma_wait3A_37] : memref<8192x512xi32, #tpu.memory_space<hbm>> -> memref<64x512xi32, #tpu.memory_space<hbm>>
    tpu.wait_dma2 semaphore(%arg12 : memref<!tpu.dma_semaphore, #tpu.memory_space<semaphore_mem>>) src(%arg6 : memref<64x512xi32, #tpu.memory_space<vmem>>) dst(%dma_wait3A_38 : memref<64x512xi32, #tpu.memory_space<hbm>>)
    %dma_start3A_39 = arith.constant 3 : i32
    %dma_start3A_40 = arith.constant 0 : i32
    %dma_start3A_41 = tpu.memref_slice %arg5[%dma_start3A_39, %dma_start3A_40] : memref<4x64xi32, #tpu.memory_space<vmem>> -> memref<1x64xi32, #tpu.memory_space<vmem>>
    %dma_start3A_42 = tpu.memref_squeeze %dma_start3A_41 : memref<1x64xi32, #tpu.memory_space<vmem>> -> memref<64xi32, #tpu.memory_space<vmem>>
    %dma_start3A_43 = arith.constant 0 : i32
    %dma_start3A_44 = arith.constant 0 : i32
    %dma_start3A_45 = tpu.memref_slice %arg2[%dma_start3A_43, %dma_start3A_44] : memref<33024x512xi32, #tpu.memory_space<hbm>> -> memref<33024x512xi32, #tpu.memory_space<hbm>>
    tpu.enqueue_indirect_dma source(%dma_start3A_45 : memref<33024x512xi32, #tpu.memory_space<hbm>>) target(%arg6 : memref<64x512xi32, #tpu.memory_space<vmem>>) offsets(%dma_start3A_42 : memref<64xi32, #tpu.memory_space<vmem>>) semaphore(%arg9 : memref<!tpu.dma_semaphore, #tpu.memory_space<semaphore_mem>>)
    %dma_wait3A_46 = arith.constant 1 : i32
    %dma_wait3A_47 = arith.constant 0 : i32
    %dma_wait3A_48 = tpu.memref_slice %arg5[%dma_wait3A_46, %dma_wait3A_47] : memref<4x64xi32, #tpu.memory_space<vmem>> -> memref<1x64xi32, #tpu.memory_space<vmem>>
    %dma_wait3A_49 = tpu.memref_squeeze %dma_wait3A_48 : memref<1x64xi32, #tpu.memory_space<vmem>> -> memref<64xi32, #tpu.memory_space<vmem>>
    %dma_wait3A_50 = arith.constant 0 : i32
    %dma_wait3A_51 = arith.constant 0 : i32
    %dma_wait3A_52 = tpu.memref_slice %arg2[%dma_wait3A_50, %dma_wait3A_51] : memref<33024x512xi32, #tpu.memory_space<hbm>> -> memref<33024x512xi32, #tpu.memory_space<hbm>>
    tpu.wait_indirect_dma semaphore(%arg10 : memref<!tpu.dma_semaphore, #tpu.memory_space<semaphore_mem>>) src(%dma_wait3A_52 : memref<33024x512xi32, #tpu.memory_space<hbm>>) dst(%arg7 : memref<64x512xi32, #tpu.memory_space<vmem>>)
    %add3A_53 = arith.constant 64 : i32
    %add3A_54 = arith.addi %mul3A_2, %add3A_53 : i32
    %dma_start3A_55 = arith.constant 0 : i32
    %dma_start3A_56 = tpu.memref_slice %arg4[%add3A_54, %dma_start3A_55] : memref<8192x512xi32, #tpu.memory_space<hbm>> -> memref<64x512xi32, #tpu.memory_space<hbm>>
    %dma_start3A_57 = arith.constant 0 : i32
    %dma_start3A_58 = tpu.memref_slice %arg4[%add3A_54, %dma_start3A_57] : memref<8192x512xi32, #tpu.memory_space<hbm>> -> memref<64x512xi32, #tpu.memory_space<hbm>>
    tpu.enqueue_dma source(%arg7 : memref<64x512xi32, #tpu.memory_space<vmem>>) target(%dma_start3A_58 : memref<64x512xi32, #tpu.memory_space<hbm>>) target_semaphore(%arg13 : memref<!tpu.dma_semaphore, #tpu.memory_space<semaphore_mem>>)
    %dma_wait3A_59 = arith.constant 2 : i32
    %dma_wait3A_60 = arith.constant 0 : i32
    %dma_wait3A_61 = tpu.memref_slice %arg5[%dma_wait3A_59, %dma_wait3A_60] : memref<4x64xi32, #tpu.memory_space<vmem>> -> memref<1x64xi32, #tpu.memory_space<vmem>>
    %dma_wait3A_62 = tpu.memref_squeeze %dma_wait3A_61 : memref<1x64xi32, #tpu.memory_space<vmem>> -> memref<64xi32, #tpu.memory_space<vmem>>
    %dma_wait3A_63 = arith.constant 0 : i32
    %dma_wait3A_64 = arith.constant 0 : i32
    %dma_wait3A_65 = tpu.memref_slice %arg2[%dma_wait3A_63, %dma_wait3A_64] : memref<33024x512xi32, #tpu.memory_space<hbm>> -> memref<33024x512xi32, #tpu.memory_space<hbm>>
    tpu.wait_indirect_dma semaphore(%arg11 : memref<!tpu.dma_semaphore, #tpu.memory_space<semaphore_mem>>) src(%dma_wait3A_65 : memref<33024x512xi32, #tpu.memory_space<hbm>>) dst(%arg8 : memref<64x512xi32, #tpu.memory_space<vmem>>)
    %add3A_66 = arith.constant 128 : i32
    %add3A_67 = arith.addi %mul3A_2, %add3A_66 : i32
    %dma_start3A_68 = arith.constant 0 : i32
    %dma_start3A_69 = tpu.memref_slice %arg4[%add3A_67, %dma_start3A_68] : memref<8192x512xi32, #tpu.memory_space<hbm>> -> memref<64x512xi32, #tpu.memory_space<hbm>>
    %dma_start3A_70 = arith.constant 0 : i32
    %dma_start3A_71 = tpu.memref_slice %arg4[%add3A_67, %dma_start3A_70] : memref<8192x512xi32, #tpu.memory_space<hbm>> -> memref<64x512xi32, #tpu.memory_space<hbm>>
    tpu.enqueue_dma source(%arg8 : memref<64x512xi32, #tpu.memory_space<vmem>>) target(%dma_start3A_71 : memref<64x512xi32, #tpu.memory_space<hbm>>) target_semaphore(%arg14 : memref<!tpu.dma_semaphore, #tpu.memory_space<semaphore_mem>>)
    %dma_wait3A_72 = arith.constant 3 : i32
    %dma_wait3A_73 = arith.constant 0 : i32
    %dma_wait3A_74 = tpu.memref_slice %arg5[%dma_wait3A_72, %dma_wait3A_73] : memref<4x64xi32, #tpu.memory_space<vmem>> -> memref<1x64xi32, #tpu.memory_space<vmem>>
    %dma_wait3A_75 = tpu.memref_squeeze %dma_wait3A_74 : memref<1x64xi32, #tpu.memory_space<vmem>> -> memref<64xi32, #tpu.memory_space<vmem>>
    %dma_wait3A_76 = arith.constant 0 : i32
    %dma_wait3A_77 = arith.constant 0 : i32
    %dma_wait3A_78 = tpu.memref_slice %arg2[%dma_wait3A_76, %dma_wait3A_77] : memref<33024x512xi32, #tpu.memory_space<hbm>> -> memref<33024x512xi32, #tpu.memory_space<hbm>>
    tpu.wait_indirect_dma semaphore(%arg9 : memref<!tpu.dma_semaphore, #tpu.memory_space<semaphore_mem>>) src(%dma_wait3A_78 : memref<33024x512xi32, #tpu.memory_space<hbm>>) dst(%arg6 : memref<64x512xi32, #tpu.memory_space<vmem>>)
    %add3A_79 = arith.constant 192 : i32
    %add3A_80 = arith.addi %mul3A_2, %add3A_79 : i32
    %dma_start3A_81 = arith.constant 0 : i32
    %dma_start3A_82 = tpu.memref_slice %arg4[%add3A_80, %dma_start3A_81] : memref<8192x512xi32, #tpu.memory_space<hbm>> -> memref<64x512xi32, #tpu.memory_space<hbm>>
    %dma_start3A_83 = arith.constant 0 : i32
    %dma_start3A_84 = tpu.memref_slice %arg4[%add3A_80, %dma_start3A_83] : memref<8192x512xi32, #tpu.memory_space<hbm>> -> memref<64x512xi32, #tpu.memory_space<hbm>>
    tpu.enqueue_dma source(%arg6 : memref<64x512xi32, #tpu.memory_space<vmem>>) target(%dma_start3A_84 : memref<64x512xi32, #tpu.memory_space<hbm>>) target_semaphore(%arg12 : memref<!tpu.dma_semaphore, #tpu.memory_space<semaphore_mem>>)
    %dma_wait3A_85 = arith.constant 0 : i32
    %dma_wait3A_86 = tpu.memref_slice %arg4[%add3A_54, %dma_wait3A_85] : memref<8192x512xi32, #tpu.memory_space<hbm>> -> memref<64x512xi32, #tpu.memory_space<hbm>>
    %dma_wait3A_87 = arith.constant 0 : i32
    %dma_wait3A_88 = tpu.memref_slice %arg4[%add3A_54, %dma_wait3A_87] : memref<8192x512xi32, #tpu.memory_space<hbm>> -> memref<64x512xi32, #tpu.memory_space<hbm>>
    tpu.wait_dma2 semaphore(%arg13 : memref<!tpu.dma_semaphore, #tpu.memory_space<semaphore_mem>>) src(%arg7 : memref<64x512xi32, #tpu.memory_space<vmem>>) dst(%dma_wait3A_88 : memref<64x512xi32, #tpu.memory_space<hbm>>)
    %dma_wait3A_89 = arith.constant 0 : i32
    %dma_wait3A_90 = tpu.memref_slice %arg4[%add3A_67, %dma_wait3A_89] : memref<8192x512xi32, #tpu.memory_space<hbm>> -> memref<64x512xi32, #tpu.memory_space<hbm>>
    %dma_wait3A_91 = arith.constant 0 : i32
    %dma_wait3A_92 = tpu.memref_slice %arg4[%add3A_67, %dma_wait3A_91] : memref<8192x512xi32, #tpu.memory_space<hbm>> -> memref<64x512xi32, #tpu.memory_space<hbm>>
    tpu.wait_dma2 semaphore(%arg14 : memref<!tpu.dma_semaphore, #tpu.memory_space<semaphore_mem>>) src(%arg8 : memref<64x512xi32, #tpu.memory_space<vmem>>) dst(%dma_wait3A_92 : memref<64x512xi32, #tpu.memory_space<hbm>>)
    %dma_wait3A_93 = arith.constant 0 : i32
    %dma_wait3A_94 = tpu.memref_slice %arg4[%add3A_80, %dma_wait3A_93] : memref<8192x512xi32, #tpu.memory_space<hbm>> -> memref<64x512xi32, #tpu.memory_space<hbm>>
    %dma_wait3A_95 = arith.constant 0 : i32
    %dma_wait3A_96 = tpu.memref_slice %arg4[%add3A_80, %dma_wait3A_95] : memref<8192x512xi32, #tpu.memory_space<hbm>> -> memref<64x512xi32, #tpu.memory_space<hbm>>
    tpu.wait_dma2 semaphore(%arg12 : memref<!tpu.dma_semaphore, #tpu.memory_space<semaphore_mem>>) src(%arg6 : memref<64x512xi32, #tpu.memory_space<vmem>>) dst(%dma_wait3A_96 : memref<64x512xi32, #tpu.memory_space<hbm>>)
    return
  }
}

module attributes {stable_mosaic.version = 14 : i64} {
  func.func @_ffn_kernel(%arg0: i32, %arg1: memref<40xi32, #tpu.memory_space<smem>>, %arg2: memref<40xi32, #tpu.memory_space<smem>>, %arg3: memref<256x512xi32, #tpu.memory_space<vmem>>, %arg4: memref<1x512x1024xbf16, #tpu.memory_space<vmem>>, %arg5: memref<1x512x1024xbf16, #tpu.memory_space<vmem>>, %arg6: memref<1x1024x512xbf16, #tpu.memory_space<vmem>>, %arg7: memref<256x512xi32, #tpu.memory_space<vmem>>) attributes {dimension_semantics = [#tpu.dimension_semantics<arbitrary>], iteration_bounds = array<i64: 40>, scalar_prefetch = 2 : i64, scratch_operands = 0 : i64, tpu.core_type = #tpu.core_type<tc>, window_params = [{transform_indices = @transform_0, window_bounds = array<i64: 256, 512>}, {transform_indices = @transform_1, window_bounds = array<i64: 1, 512, 1024>}, {transform_indices = @transform_2, window_bounds = array<i64: 1, 512, 1024>}, {transform_indices = @transform_3, window_bounds = array<i64: 1, 1024, 512>}, {transform_indices = @transform_4, window_bounds = array<i64: 256, 512>}]} {
    %get3A = arith.constant 0 : index
    %get3A_0 = arith.constant 0 : index
    %get3A_1 = vector.load %arg3[%get3A, %get3A_0] : memref<256x512xi32, #tpu.memory_space<vmem>>, vector<256x512xi32>
    %bitcast_convert_type3A = tpu.bitcast %get3A_1 : vector<256x512xi32> -> vector<256x512xi32>
    %shift_left3A = arith.constant 16 : i32
    %shift_left3A_2 = vector.broadcast %shift_left3A : i32 to vector<256x512xi32>
    %shift_left3A_3 = arith.shli %bitcast_convert_type3A, %shift_left3A_2 : vector<256x512xi32>
    %bitcast_convert_type3A_4 = tpu.bitcast %shift_left3A_3 : vector<256x512xi32> -> vector<256x512xf32>
    %convert_element_type3A = arith.truncf %bitcast_convert_type3A_4 : vector<256x512xf32> to vector<256x512xbf16>
    %and3A = arith.constant -65536 : i32
    %and3A_5 = vector.broadcast %and3A : i32 to vector<256x512xi32>
    %and3A_6 = arith.andi %bitcast_convert_type3A, %and3A_5 : vector<256x512xi32>
    %bitcast_convert_type3A_7 = tpu.bitcast %and3A_6 : vector<256x512xi32> -> vector<256x512xf32>
    %convert_element_type3A_8 = arith.truncf %bitcast_convert_type3A_7 : vector<256x512xf32> to vector<256x512xbf16>
    %get3A_9 = arith.constant 0 : index
    %get3A_10 = arith.constant 0 : index
    %get3A_11 = arith.constant 0 : index
    %get3A_12 = vector.load %arg4[%get3A_9, %get3A_10, %get3A_11] : memref<1x512x1024xbf16, #tpu.memory_space<vmem>>, vector<1x512x1024xbf16>
    %get3A_13 = vector.shape_cast %get3A_12 : vector<1x512x1024xbf16> to vector<512x1024xbf16>
    %slice3A = vector.extract_strided_slice %get3A_13 {offsets = [0, 0], sizes = [512, 512], strides = [1, 1]} : vector<512x1024xbf16> to vector<512x512xbf16>
    %dot_general3A = arith.constant dense<0.000000e+00> : vector<256x512xf32>
    %dot_general3A_14 = tpu.matmul %convert_element_type3A, %slice3A, %dot_general3A {dimension_numbers = #tpu.dot_dimension_numbers<[1], [1], [0], [0], [0, 0, 1, 0], [], []>, transpose_lhs_hint = false} : vector<256x512xbf16>, vector<512x512xbf16>, vector<256x512xf32> -> vector<256x512xf32>
    %slice3A_15 = vector.extract_strided_slice %get3A_13 {offsets = [0, 512], sizes = [512, 512], strides = [1, 1]} : vector<512x1024xbf16> to vector<512x512xbf16>
    %dot_general3A_16 = arith.constant dense<0.000000e+00> : vector<256x512xf32>
    %dot_general3A_17 = tpu.matmul %convert_element_type3A_8, %slice3A_15, %dot_general3A_16 {dimension_numbers = #tpu.dot_dimension_numbers<[1], [1], [0], [0], [0, 0, 1, 0], [], []>, transpose_lhs_hint = false} : vector<256x512xbf16>, vector<512x512xbf16>, vector<256x512xf32> -> vector<256x512xf32>
    %add3A = arith.addf %dot_general3A_14, %dot_general3A_17 : vector<256x512xf32>
    %get3A_18 = arith.constant 0 : index
    %get3A_19 = arith.constant 0 : index
    %get3A_20 = arith.constant 0 : index
    %get3A_21 = vector.load %arg5[%get3A_18, %get3A_19, %get3A_20] : memref<1x512x1024xbf16, #tpu.memory_space<vmem>>, vector<1x512x1024xbf16>
    %get3A_22 = vector.shape_cast %get3A_21 : vector<1x512x1024xbf16> to vector<512x1024xbf16>
    %slice3A_23 = vector.extract_strided_slice %get3A_22 {offsets = [0, 0], sizes = [512, 512], strides = [1, 1]} : vector<512x1024xbf16> to vector<512x512xbf16>
    %dot_general3A_24 = arith.constant dense<0.000000e+00> : vector<256x512xf32>
    %dot_general3A_25 = tpu.matmul %convert_element_type3A, %slice3A_23, %dot_general3A_24 {dimension_numbers = #tpu.dot_dimension_numbers<[1], [1], [0], [0], [0, 0, 1, 0], [], []>, transpose_lhs_hint = false} : vector<256x512xbf16>, vector<512x512xbf16>, vector<256x512xf32> -> vector<256x512xf32>
    %slice3A_26 = vector.extract_strided_slice %get3A_22 {offsets = [0, 512], sizes = [512, 512], strides = [1, 1]} : vector<512x1024xbf16> to vector<512x512xbf16>
    %dot_general3A_27 = arith.constant dense<0.000000e+00> : vector<256x512xf32>
    %dot_general3A_28 = tpu.matmul %convert_element_type3A_8, %slice3A_26, %dot_general3A_27 {dimension_numbers = #tpu.dot_dimension_numbers<[1], [1], [0], [0], [0, 0, 1, 0], [], []>, transpose_lhs_hint = false} : vector<256x512xbf16>, vector<512x512xbf16>, vector<256x512xf32> -> vector<256x512xf32>
    %add3A_29 = arith.addf %dot_general3A_25, %dot_general3A_28 : vector<256x512xf32>
    %logistic3A = arith.negf %add3A : vector<256x512xf32>
    %logistic3A_30 = math.exp %logistic3A : vector<256x512xf32>
    %logistic3A_31 = arith.constant 1.000000e+00 : f32
    %logistic3A_32 = vector.broadcast %logistic3A_31 : f32 to vector<256x512xf32>
    %logistic3A_33 = arith.addf %logistic3A_32, %logistic3A_30 : vector<256x512xf32>
    %logistic3A_34 = arith.divf %logistic3A_32, %logistic3A_33 : vector<256x512xf32>
    %mul3A = arith.mulf %add3A, %logistic3A_34 : vector<256x512xf32>
    %mul3A_35 = arith.mulf %mul3A, %add3A_29 : vector<256x512xf32>
    %convert_element_type3A_36 = arith.truncf %mul3A_35 : vector<256x512xf32> to vector<256x512xbf16>
    %get3A_37 = arith.constant 0 : index
    %get3A_38 = arith.constant 0 : index
    %get3A_39 = arith.constant 0 : index
    %get3A_40 = vector.load %arg6[%get3A_37, %get3A_38, %get3A_39] : memref<1x1024x512xbf16, #tpu.memory_space<vmem>>, vector<1x1024x512xbf16>
    %get3A_41 = vector.shape_cast %get3A_40 : vector<1x1024x512xbf16> to vector<1024x512xbf16>
    %dot_general3A_42 = arith.constant dense<0.000000e+00> : vector<256x1024xf32>
    %dot_general3A_43 = tpu.matmul %convert_element_type3A_36, %get3A_41, %dot_general3A_42 {dimension_numbers = #tpu.dot_dimension_numbers<[1], [1], [0], [0], [0, 0, 1, 0], [], []>, transpose_lhs_hint = false} : vector<256x512xbf16>, vector<1024x512xbf16>, vector<256x1024xf32> -> vector<256x1024xf32>
    %bitcast_convert_type3A_44 = tpu.bitcast %dot_general3A_43 : vector<256x1024xf32> -> vector<256x1024xi32>
    %add3A_45 = arith.constant 32767 : i32
    %add3A_46 = vector.broadcast %add3A_45 : i32 to vector<256x1024xi32>
    %add3A_47 = arith.addi %bitcast_convert_type3A_44, %add3A_46 : vector<256x1024xi32>
    %shift_right_logical3A = arith.constant 16 : i32
    %shift_right_logical3A_48 = vector.broadcast %shift_right_logical3A : i32 to vector<256x1024xi32>
    %shift_right_logical3A_49 = arith.shrui %bitcast_convert_type3A_44, %shift_right_logical3A_48 : vector<256x1024xi32>
    %and3A_50 = arith.constant 1 : i32
    %and3A_51 = vector.broadcast %and3A_50 : i32 to vector<256x1024xi32>
    %and3A_52 = arith.andi %shift_right_logical3A_49, %and3A_51 : vector<256x1024xi32>
    %add3A_53 = arith.addi %add3A_47, %and3A_52 : vector<256x1024xi32>
    %shift_right_logical3A_54 = arith.constant 16 : i32
    %shift_right_logical3A_55 = vector.broadcast %shift_right_logical3A_54 : i32 to vector<256x1024xi32>
    %shift_right_logical3A_56 = arith.shrui %add3A_53, %shift_right_logical3A_55 : vector<256x1024xi32>
    %slice3A_57 = vector.extract_strided_slice %shift_right_logical3A_56 {offsets = [0, 0], sizes = [256, 512], strides = [1, 1]} : vector<256x1024xi32> to vector<256x512xi32>
    %slice3A_58 = vector.extract_strided_slice %shift_right_logical3A_56 {offsets = [0, 512], sizes = [256, 512], strides = [1, 1]} : vector<256x1024xi32> to vector<256x512xi32>
    %shift_left3A_59 = arith.constant 16 : i32
    %shift_left3A_60 = vector.broadcast %shift_left3A_59 : i32 to vector<256x512xi32>
    %shift_left3A_61 = arith.shli %slice3A_58, %shift_left3A_60 : vector<256x512xi32>
    %or3A = arith.ori %slice3A_57, %shift_left3A_61 : vector<256x512xi32>
    %bitcast_convert_type3A_62 = tpu.bitcast %or3A : vector<256x512xi32> -> vector<256x512xi32>
    %swap3A = arith.constant 0 : index
    %swap3A_63 = arith.constant 0 : index
    %swap3A_64 = vector.load %arg7[%swap3A, %swap3A_63] : memref<256x512xi32, #tpu.memory_space<vmem>>, vector<256x512xi32>
    tpu.vector_store %arg7[%swap3A, %swap3A_63], %bitcast_convert_type3A_62 {strides = array<i32>} : memref<256x512xi32, #tpu.memory_space<vmem>>, vector<256x512xi32>,
    return
  }
  func.func @transform_0(%arg0: i32, %arg1: memref<40xi32, #tpu.memory_space<smem>>, %arg2: memref<40xi32, #tpu.memory_space<smem>>) -> (i32, i32) {
    %get3A = arith.index_cast %arg0 : i32 to index
    %get3A_0 = memref.load %arg2[%get3A] : memref<40xi32, #tpu.memory_space<smem>>
    %c0_i32 = arith.constant 0 : i32
    %c0_i32_1 = arith.constant 0 : i32
    return %get3A_0, %c0_i32 : i32, i32
  }
  func.func @transform_1(%arg0: i32, %arg1: memref<40xi32, #tpu.memory_space<smem>>, %arg2: memref<40xi32, #tpu.memory_space<smem>>) -> (i32, i32, i32) {
    %get3A = arith.index_cast %arg0 : i32 to index
    %get3A_0 = memref.load %arg1[%get3A] : memref<40xi32, #tpu.memory_space<smem>>
    %c0_i32 = arith.constant 0 : i32
    %c0_i32_1 = arith.constant 0 : i32
    %c0_i32_2 = arith.constant 0 : i32
    return %get3A_0, %c0_i32, %c0_i32_1 : i32, i32, i32
  }
  func.func @transform_2(%arg0: i32, %arg1: memref<40xi32, #tpu.memory_space<smem>>, %arg2: memref<40xi32, #tpu.memory_space<smem>>) -> (i32, i32, i32) {
    %get3A = arith.index_cast %arg0 : i32 to index
    %get3A_0 = memref.load %arg1[%get3A] : memref<40xi32, #tpu.memory_space<smem>>
    %c0_i32 = arith.constant 0 : i32
    %c0_i32_1 = arith.constant 0 : i32
    %c0_i32_2 = arith.constant 0 : i32
    return %get3A_0, %c0_i32, %c0_i32_1 : i32, i32, i32
  }
  func.func @transform_3(%arg0: i32, %arg1: memref<40xi32, #tpu.memory_space<smem>>, %arg2: memref<40xi32, #tpu.memory_space<smem>>) -> (i32, i32, i32) {
    %get3A = arith.index_cast %arg0 : i32 to index
    %get3A_0 = memref.load %arg1[%get3A] : memref<40xi32, #tpu.memory_space<smem>>
    %c0_i32 = arith.constant 0 : i32
    %c0_i32_1 = arith.constant 0 : i32
    %c0_i32_2 = arith.constant 0 : i32
    return %get3A_0, %c0_i32, %c0_i32_1 : i32, i32, i32
  }
  func.func @transform_4(%arg0: i32, %arg1: memref<40xi32, #tpu.memory_space<smem>>, %arg2: memref<40xi32, #tpu.memory_space<smem>>) -> (i32, i32) {
    %get3A = arith.index_cast %arg0 : i32 to index
    %get3A_0 = memref.load %arg2[%get3A] : memref<40xi32, #tpu.memory_space<smem>>
    %c0_i32 = arith.constant 0 : i32
    %c0_i32_1 = arith.constant 0 : i32
    return %get3A_0, %c0_i32 : i32, i32
  }
}

module attributes {stable_mosaic.version = 14 : i64} {
  func.func @_gate_kernel(%arg0: i32, %arg1: memref<512x1024xf32, #tpu.memory_space<vmem>>, %arg2: memref<8x1024xf32, #tpu.memory_space<vmem>>, %arg3: memref<8x8xf32, #tpu.memory_space<vmem>>, %arg4: memref<1x512x1024xf32, #tpu.memory_space<vmem>>, %arg5: memref<1x512x1024xf32, #tpu.memory_space<vmem>>, %arg6: memref<1x1024x512xf32, #tpu.memory_space<vmem>>, %arg7: memref<512x512xi32, #tpu.memory_space<vmem>>, %arg8: memref<512x2xi32, #tpu.memory_space<vmem>>, %arg9: memref<512x2xf32, #tpu.memory_space<vmem>>, %arg10: memref<512x2xi32, #tpu.memory_space<vmem>>, %arg11: memref<8x8xf32, #tpu.memory_space<vmem>>, %arg12: memref<8x8xi32, #tpu.memory_space<vmem>>, %arg13: memref<8x8xf32, #tpu.memory_space<vmem>>, %arg14: memref<8x40xi32, #tpu.memory_space<vmem>>, %arg15: memref<8x40xi32, #tpu.memory_space<vmem>>, %arg16: memref<1x512x1024xbf16, #tpu.memory_space<vmem>>, %arg17: memref<1x512x1024xbf16, #tpu.memory_space<vmem>>, %arg18: memref<1x1024x512xbf16, #tpu.memory_space<vmem>>) attributes {dimension_semantics = [#tpu.dimension_semantics<arbitrary>], iteration_bounds = array<i64: 8>, scalar_prefetch = 0 : i64, scratch_operands = 0 : i64, tpu.core_type = #tpu.core_type<tc>, window_params = [{transform_indices = @transform_0, window_bounds = array<i64: 512, 1024>}, {pipeline_mode = #tpu.pipeline_mode<synchronous>, transform_indices = @transform_1, window_bounds = array<i64: 8, 1024>}, {pipeline_mode = #tpu.pipeline_mode<synchronous>, transform_indices = @transform_2, window_bounds = array<i64: 8, 8>}, {transform_indices = @transform_3, window_bounds = array<i64: 1, 512, 1024>}, {transform_indices = @transform_4, window_bounds = array<i64: 1, 512, 1024>}, {transform_indices = @transform_5, window_bounds = array<i64: 1, 1024, 512>}, {transform_indices = @transform_6, window_bounds = array<i64: 512, 512>}, {transform_indices = @transform_7, window_bounds = array<i64: 512, 2>}, {transform_indices = @transform_8, window_bounds = array<i64: 512, 2>}, {transform_indices = @transform_9, window_bounds = array<i64: 512, 2>}, {pipeline_mode = #tpu.pipeline_mode<synchronous>, transform_indices = @transform_10, window_bounds = array<i64: 8, 8>}, {pipeline_mode = #tpu.pipeline_mode<synchronous>, transform_indices = @transform_11, window_bounds = array<i64: 8, 8>}, {pipeline_mode = #tpu.pipeline_mode<synchronous>, transform_indices = @transform_12, window_bounds = array<i64: 8, 8>}, {pipeline_mode = #tpu.pipeline_mode<synchronous>, transform_indices = @transform_13, window_bounds = array<i64: 8, 40>}, {pipeline_mode = #tpu.pipeline_mode<synchronous>, transform_indices = @transform_14, window_bounds = array<i64: 8, 40>}, {transform_indices = @transform_15, window_bounds = array<i64: 1, 512, 1024>}, {transform_indices = @transform_16, window_bounds = array<i64: 1, 512, 1024>}, {transform_indices = @transform_17, window_bounds = array<i64: 1, 1024, 512>}]} {
    %get3A = arith.constant 0 : index
    %get3A_0 = arith.constant 0 : index
    %get3A_1 = vector.load %arg1[%get3A, %get3A_0] : memref<512x1024xf32, #tpu.memory_space<vmem>>, vector<512x1024xf32>
    %get3A_2 = arith.constant 0 : index
    %get3A_3 = arith.constant 0 : index
    %get3A_4 = vector.load %arg2[%get3A_2, %get3A_3] : memref<8x1024xf32, #tpu.memory_space<vmem>>, vector<8x1024xf32>
    %dot_general3A = arith.constant dense<0.000000e+00> : vector<512x8xf32>
    %dot_general3A_5 = tpu.matmul %get3A_1, %get3A_4, %dot_general3A {dimension_numbers = #tpu.dot_dimension_numbers<[1], [1], [0], [0], [0, 0, 1, 0], [], []>, transpose_lhs_hint = false} : vector<512x1024xf32>, vector<8x1024xf32>, vector<512x8xf32> -> vector<512x8xf32>
    %tanh3A = math.tanh %dot_general3A_5 : vector<512x8xf32>
    %get3A_6 = arith.constant 0 : index
    %get3A_7 = arith.constant 0 : index
    %get3A_8 = vector.load %arg3[%get3A_6, %get3A_7] : memref<8x8xf32, #tpu.memory_space<vmem>>, vector<8x8xf32>
    %dot_general3A_9 = arith.constant dense<0.000000e+00> : vector<512x8xf32>
    %dot_general3A_10 = tpu.matmul %tanh3A, %get3A_8, %dot_general3A_9 {dimension_numbers = #tpu.dot_dimension_numbers<[1], [1], [0], [0], [0, 0, 1, 0], [], []>, transpose_lhs_hint = false} : vector<512x8xf32>, vector<8x8xf32>, vector<512x8xf32> -> vector<512x8xf32>
    %iota3A = tpu.iota {dimensions = array<i32: 1>} : vector<512x8xi32>
    %reduce_max3A = arith.constant dense<0xFF800000> : vector<512xf32>
    %reduce_max3A_11 = vector.multi_reduction <maximumf>, %dot_general3A_10, %reduce_max3A [1] : vector<512x8xf32> to vector<512xf32>
    %broadcast_in_dim3A = vector.shape_cast %reduce_max3A_11 : vector<512xf32> to vector<512x1xf32>
    %eq3A = vector.broadcast %broadcast_in_dim3A : vector<512x1xf32> to vector<512x8xf32>
    %eq3A_12 = arith.cmpf oeq, %dot_general3A_10, %eq3A : vector<512x8xf32>
    %jit3A = arith.constant 8 : i32
    %broadcast_in_dim3A_13 = vector.broadcast %jit3A : i32 to vector<512x8xi32>
    %select_n3A = arith.select %eq3A_12, %iota3A, %broadcast_in_dim3A_13 : vector<512x8xi1>, vector<512x8xi32>
    %reduce_min3A = arith.constant dense<2147483647> : vector<512xi32>
    %reduce_min3A_14 = vector.multi_reduction <minsi>, %select_n3A, %reduce_min3A [1] : vector<512x8xi32> to vector<512xi32>
    %broadcast_in_dim3A_15 = vector.shape_cast %reduce_min3A_14 : vector<512xi32> to vector<512x1xi32>
    %eq3A_16 = vector.broadcast %broadcast_in_dim3A_15 : vector<512x1xi32> to vector<512x8xi32>
    %eq3A_17 = arith.cmpi eq, %iota3A, %eq3A_16 : vector<512x8xi32>
    %jit3A_18 = arith.constant 0xFF800000 : f32
    %broadcast_in_dim3A_19 = vector.broadcast %jit3A_18 : f32 to vector<512x8xf32>
    %select_n3A_20 = arith.select %eq3A_17, %broadcast_in_dim3A_19, %dot_general3A_10 : vector<512x8xi1>, vector<512x8xf32>
    %reduce_max3A_21 = arith.constant dense<0xFF800000> : vector<512xf32>
    %reduce_max3A_22 = vector.multi_reduction <maximumf>, %select_n3A_20, %reduce_max3A_21 [1] : vector<512x8xf32> to vector<512xf32>
    %broadcast_in_dim3A_23 = vector.shape_cast %reduce_max3A_22 : vector<512xf32> to vector<512x1xf32>
    %eq3A_24 = vector.broadcast %broadcast_in_dim3A_23 : vector<512x1xf32> to vector<512x8xf32>
    %eq3A_25 = arith.cmpf oeq, %select_n3A_20, %eq3A_24 : vector<512x8xf32>
    %jit3A_26 = arith.constant 8 : i32
    %broadcast_in_dim3A_27 = vector.broadcast %jit3A_26 : i32 to vector<512x8xi32>
    %select_n3A_28 = arith.select %eq3A_25, %iota3A, %broadcast_in_dim3A_27 : vector<512x8xi1>, vector<512x8xi32>
    %reduce_min3A_29 = arith.constant dense<2147483647> : vector<512xi32>
    %reduce_min3A_30 = vector.multi_reduction <minsi>, %select_n3A_28, %reduce_min3A_29 [1] : vector<512x8xi32> to vector<512xi32>
    %broadcast_in_dim3A_31 = vector.shape_cast %reduce_min3A_30 : vector<512xi32> to vector<512x1xi32>
    %sub3A = arith.subf %broadcast_in_dim3A_23, %broadcast_in_dim3A : vector<512x1xf32>
    %exp3A = math.exp %sub3A : vector<512x1xf32>
    %add3A = arith.constant 1.000000e+00 : f32
    %add3A_32 = vector.broadcast %add3A : f32 to vector<512x1xf32>
    %add3A_33 = arith.addf %add3A_32, %exp3A : vector<512x1xf32>
    %div3A = arith.constant 1.000000e+00 : f32
    %div3A_34 = vector.broadcast %div3A : f32 to vector<512x1xf32>
    %div3A_35 = arith.divf %div3A_34, %add3A_33 : vector<512x1xf32>
    %div3A_36 = arith.divf %exp3A, %add3A_33 : vector<512x1xf32>
    %eq3A_37 = vector.broadcast %broadcast_in_dim3A_15 : vector<512x1xi32> to vector<512x8xi32>
    %eq3A_38 = arith.cmpi eq, %iota3A, %eq3A_37 : vector<512x8xi32>
    %eq3A_39 = vector.broadcast %broadcast_in_dim3A_31 : vector<512x1xi32> to vector<512x8xi32>
    %eq3A_40 = arith.cmpi eq, %iota3A, %eq3A_39 : vector<512x8xi32>
    %bitcast_convert_type3A = tpu.bitcast %get3A_1 : vector<512x1024xf32> -> vector<512x1024xi32>
    %add3A_41 = arith.constant 32767 : i32
    %add3A_42 = vector.broadcast %add3A_41 : i32 to vector<512x1024xi32>
    %add3A_43 = arith.addi %bitcast_convert_type3A, %add3A_42 : vector<512x1024xi32>
    %shift_right_logical3A = arith.constant 16 : i32
    %shift_right_logical3A_44 = vector.broadcast %shift_right_logical3A : i32 to vector<512x1024xi32>
    %shift_right_logical3A_45 = arith.shrui %bitcast_convert_type3A, %shift_right_logical3A_44 : vector<512x1024xi32>
    %and3A = arith.constant 1 : i32
    %and3A_46 = vector.broadcast %and3A : i32 to vector<512x1024xi32>
    %and3A_47 = arith.andi %shift_right_logical3A_45, %and3A_46 : vector<512x1024xi32>
    %add3A_48 = arith.addi %add3A_43, %and3A_47 : vector<512x1024xi32>
    %shift_right_logical3A_49 = arith.constant 16 : i32
    %shift_right_logical3A_50 = vector.broadcast %shift_right_logical3A_49 : i32 to vector<512x1024xi32>
    %shift_right_logical3A_51 = arith.shrui %add3A_48, %shift_right_logical3A_50 : vector<512x1024xi32>
    %slice3A = vector.extract_strided_slice %shift_right_logical3A_51 {offsets = [0, 0], sizes = [512, 512], strides = [1, 1]} : vector<512x1024xi32> to vector<512x512xi32>
    %slice3A_52 = vector.extract_strided_slice %shift_right_logical3A_51 {offsets = [0, 512], sizes = [512, 512], strides = [1, 1]} : vector<512x1024xi32> to vector<512x512xi32>
    %shift_left3A = arith.constant 16 : i32
    %shift_left3A_53 = vector.broadcast %shift_left3A : i32 to vector<512x512xi32>
    %shift_left3A_54 = arith.shli %slice3A_52, %shift_left3A_53 : vector<512x512xi32>
    %or3A = arith.ori %slice3A, %shift_left3A_54 : vector<512x512xi32>
    %bitcast_convert_type3A_55 = tpu.bitcast %or3A : vector<512x512xi32> -> vector<512x512xi32>
    %swap3A = arith.constant 0 : index
    %swap3A_56 = arith.constant 0 : index
    %swap3A_57 = vector.load %arg7[%swap3A, %swap3A_56] : memref<512x512xi32, #tpu.memory_space<vmem>>, vector<512x512xi32>
    tpu.vector_store %arg7[%swap3A, %swap3A_56], %bitcast_convert_type3A_55 {strides = array<i32>} : memref<512x512xi32, #tpu.memory_space<vmem>>, vector<512x512xi32>,
    %concatenate3A = tpu.concatenate %broadcast_in_dim3A_15, %broadcast_in_dim3A_31 in 1 : vector<512x1xi32>, vector<512x1xi32> -> vector<512x2xi32>
    %swap3A_58 = arith.constant 0 : index
    %swap3A_59 = arith.constant 0 : index
    %swap3A_60 = vector.load %arg8[%swap3A_58, %swap3A_59] : memref<512x2xi32, #tpu.memory_space<vmem>>, vector<512x2xi32>
    tpu.vector_store %arg8[%swap3A_58, %swap3A_59], %concatenate3A {strides = array<i32>} : memref<512x2xi32, #tpu.memory_space<vmem>>, vector<512x2xi32>,
    %concatenate3A_61 = tpu.concatenate %div3A_35, %div3A_36 in 1 : vector<512x1xf32>, vector<512x1xf32> -> vector<512x2xf32>
    %swap3A_62 = arith.constant 0 : index
    %swap3A_63 = arith.constant 0 : index
    %swap3A_64 = vector.load %arg9[%swap3A_62, %swap3A_63] : memref<512x2xf32, #tpu.memory_space<vmem>>, vector<512x2xf32>
    tpu.vector_store %arg9[%swap3A_62, %swap3A_63], %concatenate3A_61 {strides = array<i32>} : memref<512x2xf32, #tpu.memory_space<vmem>>, vector<512x2xf32>,
    %get3A_65 = arith.constant 0 : index
    %get3A_66 = arith.constant 0 : index
    %get3A_67 = arith.constant 0 : index
    %get3A_68 = vector.load %arg4[%get3A_65, %get3A_66, %get3A_67] : memref<1x512x1024xf32, #tpu.memory_space<vmem>>, vector<1x512x1024xf32>
    %convert_element_type3A = arith.truncf %get3A_68 : vector<1x512x1024xf32> to vector<1x512x1024xbf16>
    %swap3A_69 = arith.constant 0 : index
    %swap3A_70 = arith.constant 0 : index
    %swap3A_71 = arith.constant 0 : index
    %swap3A_72 = vector.load %arg16[%swap3A_69, %swap3A_70, %swap3A_71] : memref<1x512x1024xbf16, #tpu.memory_space<vmem>>, vector<1x512x1024xbf16>
    tpu.vector_store %arg16[%swap3A_69, %swap3A_70, %swap3A_71], %convert_element_type3A {strides = array<i32>} : memref<1x512x1024xbf16, #tpu.memory_space<vmem>>, vector<1x512x1024xbf16>,
    %get3A_73 = arith.constant 0 : index
    %get3A_74 = arith.constant 0 : index
    %get3A_75 = arith.constant 0 : index
    %get3A_76 = vector.load %arg5[%get3A_73, %get3A_74, %get3A_75] : memref<1x512x1024xf32, #tpu.memory_space<vmem>>, vector<1x512x1024xf32>
    %convert_element_type3A_77 = arith.truncf %get3A_76 : vector<1x512x1024xf32> to vector<1x512x1024xbf16>
    %swap3A_78 = arith.constant 0 : index
    %swap3A_79 = arith.constant 0 : index
    %swap3A_80 = arith.constant 0 : index
    %swap3A_81 = vector.load %arg17[%swap3A_78, %swap3A_79, %swap3A_80] : memref<1x512x1024xbf16, #tpu.memory_space<vmem>>, vector<1x512x1024xbf16>
    tpu.vector_store %arg17[%swap3A_78, %swap3A_79, %swap3A_80], %convert_element_type3A_77 {strides = array<i32>} : memref<1x512x1024xbf16, #tpu.memory_space<vmem>>, vector<1x512x1024xbf16>,
    %get3A_82 = arith.constant 0 : index
    %get3A_83 = arith.constant 0 : index
    %get3A_84 = arith.constant 0 : index
    %get3A_85 = vector.load %arg6[%get3A_82, %get3A_83, %get3A_84] : memref<1x1024x512xf32, #tpu.memory_space<vmem>>, vector<1x1024x512xf32>
    %convert_element_type3A_86 = arith.truncf %get3A_85 : vector<1x1024x512xf32> to vector<1x1024x512xbf16>
    %swap3A_87 = arith.constant 0 : index
    %swap3A_88 = arith.constant 0 : index
    %swap3A_89 = arith.constant 0 : index
    %swap3A_90 = vector.load %arg18[%swap3A_87, %swap3A_88, %swap3A_89] : memref<1x1024x512xbf16, #tpu.memory_space<vmem>>, vector<1x1024x512xbf16>
    tpu.vector_store %arg18[%swap3A_87, %swap3A_88, %swap3A_89], %convert_element_type3A_86 {strides = array<i32>} : memref<1x1024x512xbf16, #tpu.memory_space<vmem>>, vector<1x1024x512xbf16>,
    %eq3A_91 = arith.constant 0 : i32
    %eq3A_92 = arith.cmpi eq, %arg0, %eq3A_91 : i32
    %convert_element_type3A_93 = arith.extui %eq3A_92 : i1 to i32
    %cond3A = arith.constant 0 : i32
    %cond3A_94 = arith.cmpi ne, %convert_element_type3A_93, %cond3A : i32
    scf.if %cond3A_94 {
      %broadcast_in_dim3A_166 = arith.constant 0.000000e+00 : f32
      %broadcast_in_dim3A_167 = vector.broadcast %broadcast_in_dim3A_166 : f32 to vector<8x8xf32>
      %swap3A_168 = arith.constant 0 : index
      %swap3A_169 = arith.constant 0 : index
      %swap3A_170 = vector.load %arg11[%swap3A_168, %swap3A_169] : memref<8x8xf32, #tpu.memory_space<vmem>>, vector<8x8xf32>
      tpu.vector_store %arg11[%swap3A_168, %swap3A_169], %broadcast_in_dim3A_167 {strides = array<i32>} : memref<8x8xf32, #tpu.memory_space<vmem>>, vector<8x8xf32>,
      %broadcast_in_dim3A_171 = arith.constant 0 : i32
      %broadcast_in_dim3A_172 = vector.broadcast %broadcast_in_dim3A_171 : i32 to vector<8x8xi32>
      %swap3A_173 = arith.constant 0 : index
      %swap3A_174 = arith.constant 0 : index
      %swap3A_175 = vector.load %arg12[%swap3A_173, %swap3A_174] : memref<8x8xi32, #tpu.memory_space<vmem>>, vector<8x8xi32>
      tpu.vector_store %arg12[%swap3A_173, %swap3A_174], %broadcast_in_dim3A_172 {strides = array<i32>} : memref<8x8xi32, #tpu.memory_space<vmem>>, vector<8x8xi32>,
    } else {
    }
    %get3A_95 = arith.constant 0 : index
    %get3A_96 = arith.constant 0 : index
    %get3A_97 = vector.load %arg12[%get3A_95, %get3A_96] : memref<8x8xi32, #tpu.memory_space<vmem>>, vector<1x8xi32>
    %convert_element_type3A_98 = arith.extui %eq3A_38 : vector<512x8xi1> to vector<512x8xi32>
    %convert_element_type3A_99 = arith.extui %eq3A_40 : vector<512x8xi1> to vector<512x8xi32>
    %add3A_100 = arith.addi %convert_element_type3A_98, %convert_element_type3A_99 : vector<512x8xi32>
    %iota3A_101 = tpu.iota {dimensions = array<i32: 0>} : vector<512x512xi32>
    %iota3A_102 = tpu.iota {dimensions = array<i32: 1>} : vector<512x512xi32>
    %gt3A = arith.cmpi sgt, %iota3A_101, %iota3A_102 : vector<512x512xi32>
    %convert_element_type3A_103 = arith.extui %gt3A : vector<512x512xi1> to vector<512x512xi32>
    %convert_element_type3A_104 = arith.sitofp %convert_element_type3A_103 : vector<512x512xi32> to vector<512x512xf32>
    %convert_element_type3A_105 = arith.sitofp %add3A_100 : vector<512x8xi32> to vector<512x8xf32>
    %dot_general3A_106 = arith.constant dense<0.000000e+00> : vector<512x8xf32>
    %dot_general3A_107 = tpu.matmul %convert_element_type3A_104, %convert_element_type3A_105, %dot_general3A_106 {dimension_numbers = #tpu.dot_dimension_numbers<[1], [0], [0], [1], [0, 0, 1, 1], [], []>, transpose_lhs_hint = false} : vector<512x512xf32>, vector<512x8xf32>, vector<512x8xf32> -> vector<512x8xf32>
    %convert_element_type3A_108 = arith.fptosi %dot_general3A_107 : vector<512x8xf32> to vector<512x8xi32>
    %add3A_109 = vector.broadcast %get3A_97 : vector<1x8xi32> to vector<512x8xi32>
    %add3A_110 = arith.addi %convert_element_type3A_108, %add3A_109 : vector<512x8xi32>
    %jit3A_111 = arith.constant 0 : i32
    %broadcast_in_dim3A_112 = vector.broadcast %jit3A_111 : i32 to vector<512x8xi32>
    %select_n3A_113 = arith.select %eq3A_38, %add3A_110, %broadcast_in_dim3A_112 : vector<512x8xi1>, vector<512x8xi32>
    %reduce_sum3A = arith.constant dense<0> : vector<512xi32>
    %reduce_sum3A_114 = vector.multi_reduction <add>, %select_n3A_113, %reduce_sum3A [1] : vector<512x8xi32> to vector<512xi32>
    %broadcast_in_dim3A_115 = vector.shape_cast %reduce_sum3A_114 : vector<512xi32> to vector<512x1xi32>
    %jit3A_116 = arith.constant 0 : i32
    %broadcast_in_dim3A_117 = vector.broadcast %jit3A_116 : i32 to vector<512x8xi32>
    %select_n3A_118 = arith.select %eq3A_40, %add3A_110, %broadcast_in_dim3A_117 : vector<512x8xi1>, vector<512x8xi32>
    %reduce_sum3A_119 = arith.constant dense<0> : vector<512xi32>
    %reduce_sum3A_120 = vector.multi_reduction <add>, %select_n3A_118, %reduce_sum3A_119 [1] : vector<512x8xi32> to vector<512xi32>
    %broadcast_in_dim3A_121 = vector.shape_cast %reduce_sum3A_120 : vector<512xi32> to vector<512x1xi32>
    %concatenate3A_122 = tpu.concatenate %broadcast_in_dim3A_15, %broadcast_in_dim3A_31 in 1 : vector<512x1xi32>, vector<512x1xi32> -> vector<512x2xi32>
    %mul3A = arith.constant 4096 : i32
    %mul3A_123 = vector.broadcast %mul3A : i32 to vector<512x2xi32>
    %mul3A_124 = arith.muli %concatenate3A_122, %mul3A_123 : vector<512x2xi32>
    %concatenate3A_125 = tpu.concatenate %broadcast_in_dim3A_115, %broadcast_in_dim3A_121 in 1 : vector<512x1xi32>, vector<512x1xi32> -> vector<512x2xi32>
    %add3A_126 = arith.addi %mul3A_124, %concatenate3A_125 : vector<512x2xi32>
    %swap3A_127 = arith.constant 0 : index
    %swap3A_128 = arith.constant 0 : index
    %swap3A_129 = vector.load %arg10[%swap3A_127, %swap3A_128] : memref<512x2xi32, #tpu.memory_space<vmem>>, vector<512x2xi32>
    tpu.vector_store %arg10[%swap3A_127, %swap3A_128], %add3A_126 {strides = array<i32>} : memref<512x2xi32, #tpu.memory_space<vmem>>, vector<512x2xi32>,
    %jit3A_130 = arith.constant 0.000000e+00 : f32
    %broadcast_in_dim3A_131 = vector.shape_cast %div3A_35 : vector<512x1xf32> to vector<512x1xf32>
    %broadcast_in_dim3A_132 = vector.broadcast %broadcast_in_dim3A_131 : vector<512x1xf32> to vector<512x8xf32>
    %broadcast_in_dim3A_133 = vector.broadcast %jit3A_130 : f32 to vector<512x8xf32>
    %select_n3A_134 = arith.select %eq3A_38, %broadcast_in_dim3A_132, %broadcast_in_dim3A_133 : vector<512x8xi1>, vector<512x8xf32>
    %jit3A_135 = arith.constant 0.000000e+00 : f32
    %broadcast_in_dim3A_136 = vector.shape_cast %div3A_36 : vector<512x1xf32> to vector<512x1xf32>
    %broadcast_in_dim3A_137 = vector.broadcast %broadcast_in_dim3A_136 : vector<512x1xf32> to vector<512x8xf32>
    %broadcast_in_dim3A_138 = vector.broadcast %jit3A_135 : f32 to vector<512x8xf32>
    %select_n3A_139 = arith.select %eq3A_40, %broadcast_in_dim3A_137, %broadcast_in_dim3A_138 : vector<512x8xi1>, vector<512x8xf32>
    %add3A_140 = arith.addf %select_n3A_134, %select_n3A_139 : vector<512x8xf32>
    %reduce_sum3A_141 = arith.constant dense<0.000000e+00> : vector<8xf32>
    %reduce_sum3A_142 = vector.multi_reduction <add>, %add3A_140, %reduce_sum3A_141 [0] : vector<512x8xf32> to vector<8xf32>
    %broadcast_in_dim3A_143 = vector.shape_cast %reduce_sum3A_142 : vector<8xf32> to vector<1x8xf32>
    %get3A_144 = arith.constant 0 : index
    %get3A_145 = arith.constant 0 : index
    %get3A_146 = vector.load %arg11[%get3A_144, %get3A_145] : memref<8x8xf32, #tpu.memory_space<vmem>>, vector<1x8xf32>
    %add3A_147 = arith.addf %get3A_146, %broadcast_in_dim3A_143 : vector<1x8xf32>
    %swap3A_148 = arith.constant 0 : index
    %swap3A_149 = arith.constant 0 : index
    %swap3A_150 = vector.load %arg11[%swap3A_148, %swap3A_149] : memref<8x8xf32, #tpu.memory_space<vmem>>, vector<1x8xf32>
    tpu.vector_store %arg11[%swap3A_148, %swap3A_149], %add3A_147 {strides = array<i32>} : memref<8x8xf32, #tpu.memory_space<vmem>>, vector<1x8xf32>,
    %get3A_151 = arith.constant 0 : index
    %get3A_152 = arith.constant 0 : index
    %get3A_153 = vector.load %arg12[%get3A_151, %get3A_152] : memref<8x8xi32, #tpu.memory_space<vmem>>, vector<1x8xi32>
    %reduce_sum3A_154 = arith.constant dense<0> : vector<8xi32>
    %reduce_sum3A_155 = vector.multi_reduction <add>, %add3A_100, %reduce_sum3A_154 [0] : vector<512x8xi32> to vector<8xi32>
    %broadcast_in_dim3A_156 = vector.shape_cast %reduce_sum3A_155 : vector<8xi32> to vector<1x8xi32>
    %add3A_157 = arith.addi %get3A_153, %broadcast_in_dim3A_156 : vector<1x8xi32>
    %swap3A_158 = arith.constant 0 : index
    %swap3A_159 = arith.constant 0 : index
    %swap3A_160 = vector.load %arg12[%swap3A_158, %swap3A_159] : memref<8x8xi32, #tpu.memory_space<vmem>>, vector<1x8xi32>
    tpu.vector_store %arg12[%swap3A_158, %swap3A_159], %add3A_157 {strides = array<i32>} : memref<8x8xi32, #tpu.memory_space<vmem>>, vector<1x8xi32>,
    %eq3A_161 = arith.constant 7 : i32
    %eq3A_162 = arith.cmpi eq, %arg0, %eq3A_161 : i32
    %convert_element_type3A_163 = arith.extui %eq3A_162 : i1 to i32
    %cond3A_164 = arith.constant 0 : i32
    %cond3A_165 = arith.cmpi ne, %convert_element_type3A_163, %cond3A_164 : i32
    scf.if %cond3A_165 {
      %get3A_166 = arith.constant 0 : index
      %get3A_167 = arith.constant 0 : index
      %get3A_168 = vector.load %arg11[%get3A_166, %get3A_167] : memref<8x8xf32, #tpu.memory_space<vmem>>, vector<1x8xf32>
      %get3A_169 = arith.constant 0 : index
      %get3A_170 = arith.constant 0 : index
      %get3A_171 = vector.load %arg12[%get3A_169, %get3A_170] : memref<8x8xi32, #tpu.memory_space<vmem>>, vector<1x8xi32>
      %convert_element_type3A_172 = arith.sitofp %get3A_171 : vector<1x8xi32> to vector<1x8xf32>
      %reduce_sum3A_173 = vector.shape_cast %get3A_168 : vector<1x8xf32> to vector<1x1x8xf32>
      %reduce_sum3A_174 = arith.constant dense<0.000000e+00> : vector<1xf32>
      %reduce_sum3A_175 = vector.multi_reduction <add>, %reduce_sum3A_173, %reduce_sum3A_174 [1, 2] : vector<1x1x8xf32> to vector<1xf32>
      %reduce_sum3A_176 = vector.shape_cast %reduce_sum3A_175 : vector<1xf32> to vector<1x1x1xf32>
      %reduce_sum3A_177 = vector.extract %reduce_sum3A_176[0, 0, 0] : f32 from vector<1x1x1xf32>
      %div3A_178 = arith.constant 8.000000e+00 : f32
      %div3A_179 = arith.divf %reduce_sum3A_177, %div3A_178 : f32
      %sub3A_180 = vector.broadcast %div3A_179 : f32 to vector<1x8xf32>
      %sub3A_181 = arith.subf %get3A_168, %sub3A_180 : vector<1x8xf32>
      %integer_pow3A = arith.mulf %sub3A_181, %sub3A_181 : vector<1x8xf32>
      %reduce_sum3A_182 = vector.shape_cast %integer_pow3A : vector<1x8xf32> to vector<1x1x8xf32>
      %reduce_sum3A_183 = arith.constant dense<0.000000e+00> : vector<1xf32>
      %reduce_sum3A_184 = vector.multi_reduction <add>, %reduce_sum3A_182, %reduce_sum3A_183 [1, 2] : vector<1x1x8xf32> to vector<1xf32>
      %reduce_sum3A_185 = vector.shape_cast %reduce_sum3A_184 : vector<1xf32> to vector<1x1x1xf32>
      %reduce_sum3A_186 = vector.extract %reduce_sum3A_185[0, 0, 0] : f32 from vector<1x1x1xf32>
      %div3A_187 = arith.constant 7.000000e+00 : f32
      %div3A_188 = arith.divf %reduce_sum3A_186, %div3A_187 : f32
      %mul3A_189 = arith.mulf %div3A_179, %div3A_179 : f32
      %add3A_190 = arith.constant 1.000000e-10 : f32
      %add3A_191 = arith.addf %mul3A_189, %add3A_190 : f32
      %div3A_192 = arith.divf %div3A_188, %add3A_191 : f32
      %reduce_sum3A_193 = vector.shape_cast %convert_element_type3A_172 : vector<1x8xf32> to vector<1x1x8xf32>
      %reduce_sum3A_194 = arith.constant dense<0.000000e+00> : vector<1xf32>
      %reduce_sum3A_195 = vector.multi_reduction <add>, %reduce_sum3A_193, %reduce_sum3A_194 [1, 2] : vector<1x1x8xf32> to vector<1xf32>
      %reduce_sum3A_196 = vector.shape_cast %reduce_sum3A_195 : vector<1xf32> to vector<1x1x1xf32>
      %reduce_sum3A_197 = vector.extract %reduce_sum3A_196[0, 0, 0] : f32 from vector<1x1x1xf32>
      %div3A_198 = arith.constant 8.000000e+00 : f32
      %div3A_199 = arith.divf %reduce_sum3A_197, %div3A_198 : f32
      %sub3A_200 = vector.broadcast %div3A_199 : f32 to vector<1x8xf32>
      %sub3A_201 = arith.subf %convert_element_type3A_172, %sub3A_200 : vector<1x8xf32>
      %integer_pow3A_202 = arith.mulf %sub3A_201, %sub3A_201 : vector<1x8xf32>
      %reduce_sum3A_203 = vector.shape_cast %integer_pow3A_202 : vector<1x8xf32> to vector<1x1x8xf32>
      %reduce_sum3A_204 = arith.constant dense<0.000000e+00> : vector<1xf32>
      %reduce_sum3A_205 = vector.multi_reduction <add>, %reduce_sum3A_203, %reduce_sum3A_204 [1, 2] : vector<1x1x8xf32> to vector<1xf32>
      %reduce_sum3A_206 = vector.shape_cast %reduce_sum3A_205 : vector<1xf32> to vector<1x1x1xf32>
      %reduce_sum3A_207 = vector.extract %reduce_sum3A_206[0, 0, 0] : f32 from vector<1x1x1xf32>
      %div3A_208 = arith.constant 7.000000e+00 : f32
      %div3A_209 = arith.divf %reduce_sum3A_207, %div3A_208 : f32
      %mul3A_210 = arith.mulf %div3A_199, %div3A_199 : f32
      %add3A_211 = arith.constant 1.000000e-10 : f32
      %add3A_212 = arith.addf %mul3A_210, %add3A_211 : f32
      %div3A_213 = arith.divf %div3A_209, %add3A_212 : f32
      %add3A_214 = arith.addf %div3A_192, %div3A_213 : f32
      %mul3A_215 = arith.constant 0.00999999977 : f32
      %mul3A_216 = arith.mulf %mul3A_215, %add3A_214 : f32
      %broadcast_in_dim3A_217 = vector.broadcast %mul3A_216 : f32 to vector<8x8xf32>
      %swap3A_218 = arith.constant 0 : index
      %swap3A_219 = arith.constant 0 : index
      %swap3A_220 = vector.load %arg13[%swap3A_218, %swap3A_219] : memref<8x8xf32, #tpu.memory_space<vmem>>, vector<8x8xf32>
      tpu.vector_store %arg13[%swap3A_218, %swap3A_219], %broadcast_in_dim3A_217 {strides = array<i32>} : memref<8x8xf32, #tpu.memory_space<vmem>>, vector<8x8xf32>,
      %get3A_221 = arith.constant 0 : index
      %get3A_222 = arith.constant 0 : index
      %get3A_223 = vector.load %arg12[%get3A_221, %get3A_222] : memref<8x8xi32, #tpu.memory_space<vmem>>, vector<1x8xi32>
      %add3A_224 = arith.constant 255 : i32
      %add3A_225 = vector.broadcast %add3A_224 : i32 to vector<1x8xi32>
      %add3A_226 = arith.addi %get3A_223, %add3A_225 : vector<1x8xi32>
      %jit3A_227 = arith.constant 256 : i32
      %div3A_228 = vector.broadcast %jit3A_227 : i32 to vector<1x8xi32>
      %div3A_229 = arith.divsi %add3A_226, %div3A_228 : vector<1x8xi32>
      %sign3A = arith.constant 0 : i32
      %sign3A_230 = vector.broadcast %sign3A : i32 to vector<1x8xi32>
      %sign3A_231 = arith.cmpi sgt, %add3A_226, %sign3A_230 : vector<1x8xi32>
      %sign3A_232 = arith.extui %sign3A_231 : vector<1x8xi1> to vector<1x8xi32>
      %sign3A_233 = arith.constant 0 : i32
      %sign3A_234 = vector.broadcast %sign3A_233 : i32 to vector<1x8xi32>
      %sign3A_235 = arith.cmpi slt, %add3A_226, %sign3A_234 : vector<1x8xi32>
      %sign3A_236 = arith.extui %sign3A_235 : vector<1x8xi1> to vector<1x8xi32>
      %sign3A_237 = arith.subi %sign3A_232, %sign3A_236 : vector<1x8xi32>
      %sign3A_238 = arith.constant 0 : i32
      %sign3A_239 = arith.cmpi sgt, %jit3A_227, %sign3A_238 : i32
      %sign3A_240 = arith.extui %sign3A_239 : i1 to i32
      %sign3A_241 = arith.constant 0 : i32
      %sign3A_242 = arith.cmpi slt, %jit3A_227, %sign3A_241 : i32
      %sign3A_243 = arith.extui %sign3A_242 : i1 to i32
      %sign3A_244 = arith.subi %sign3A_240, %sign3A_243 : i32
      %ne3A = vector.broadcast %sign3A_244 : i32 to vector<1x8xi32>
      %ne3A_245 = arith.cmpi ne, %sign3A_237, %ne3A : vector<1x8xi32>
      %rem3A = vector.broadcast %jit3A_227 : i32 to vector<1x8xi32>
      %rem3A_246 = arith.remsi %add3A_226, %rem3A : vector<1x8xi32>
      %ne3A_247 = arith.constant 0 : i32
      %ne3A_248 = vector.broadcast %ne3A_247 : i32 to vector<1x8xi32>
      %ne3A_249 = arith.cmpi ne, %rem3A_246, %ne3A_248 : vector<1x8xi32>
      %and3A_250 = arith.andi %ne3A_245, %ne3A_249 : vector<1x8xi1>
      %sub3A_251 = arith.constant 1 : i32
      %sub3A_252 = vector.broadcast %sub3A_251 : i32 to vector<1x8xi32>
      %sub3A_253 = arith.subi %div3A_229, %sub3A_252 : vector<1x8xi32>
      %select_n3A_254 = arith.select %and3A_250, %sub3A_253, %div3A_229 : vector<1x8xi1>, vector<1x8xi32>
      %mul3A_255 = arith.constant 256 : i32
      %mul3A_256 = vector.broadcast %mul3A_255 : i32 to vector<1x8xi32>
      %mul3A_257 = arith.muli %select_n3A_254, %mul3A_256 : vector<1x8xi32>
      %convert_element_type3A_258 = arith.sitofp %mul3A_257 : vector<1x8xi32> to vector<1x8xf32>
      %iota3A_259 = tpu.iota {dimensions = array<i32: 0>} : vector<8x8xi32>
      %iota3A_260 = tpu.iota {dimensions = array<i32: 1>} : vector<8x8xi32>
      %gt3A_261 = arith.cmpi sgt, %iota3A_259, %iota3A_260 : vector<8x8xi32>
      %convert_element_type3A_262 = arith.extui %gt3A_261 : vector<8x8xi1> to vector<8x8xi32>
      %convert_element_type3A_263 = arith.sitofp %convert_element_type3A_262 : vector<8x8xi32> to vector<8x8xf32>
      %mul3A_264 = vector.broadcast %convert_element_type3A_258 : vector<1x8xf32> to vector<8x8xf32>
      %mul3A_265 = arith.mulf %convert_element_type3A_263, %mul3A_264 : vector<8x8xf32>
      %reduce_sum3A_266 = arith.constant dense<0.000000e+00> : vector<8xf32>
      %reduce_sum3A_267 = vector.multi_reduction <add>, %mul3A_265, %reduce_sum3A_266 [1] : vector<8x8xf32> to vector<8xf32>
      %broadcast_in_dim3A_268 = vector.shape_cast %reduce_sum3A_267 : vector<8xf32> to vector<8x1xf32>
      %reduce_sum3A_269 = vector.shape_cast %convert_element_type3A_258 : vector<1x8xf32> to vector<1x1x8xf32>
      %reduce_sum3A_270 = arith.constant dense<0.000000e+00> : vector<1xf32>
      %reduce_sum3A_271 = vector.multi_reduction <add>, %reduce_sum3A_269, %reduce_sum3A_270 [1, 2] : vector<1x1x8xf32> to vector<1xf32>
      %reduce_sum3A_272 = vector.shape_cast %reduce_sum3A_271 : vector<1xf32> to vector<1x1x1xf32>
      %reduce_sum3A_273 = vector.extract %reduce_sum3A_272[0, 0, 0] : f32 from vector<1x1x1xf32>
      %iota3A_274 = tpu.iota {dimensions = array<i32: 1>} : vector<1x40xi32>
      %mul3A_275 = arith.constant 256 : i32
      %mul3A_276 = vector.broadcast %mul3A_275 : i32 to vector<1x40xi32>
      %mul3A_277 = arith.muli %iota3A_274, %mul3A_276 : vector<1x40xi32>
      %convert_element_type3A_278 = arith.sitofp %mul3A_277 : vector<1x40xi32> to vector<1x40xf32>
      %le3A = vector.broadcast %broadcast_in_dim3A_268 : vector<8x1xf32> to vector<8x40xf32>
      %le3A_279 = vector.broadcast %convert_element_type3A_278 : vector<1x40xf32> to vector<8x40xf32>
      %le3A_280 = arith.cmpf ole, %le3A, %le3A_279 : vector<8x40xf32>
      %convert_element_type3A_281 = arith.extui %le3A_280 : vector<8x40xi1> to vector<8x40xi32>
      %reduce_sum3A_282 = arith.constant dense<0> : vector<40xi32>
      %reduce_sum3A_283 = vector.multi_reduction <add>, %convert_element_type3A_281, %reduce_sum3A_282 [0] : vector<8x40xi32> to vector<40xi32>
      %broadcast_in_dim3A_284 = vector.shape_cast %reduce_sum3A_283 : vector<40xi32> to vector<1x40xi32>
      %sub3A_285 = arith.constant 1 : i32
      %sub3A_286 = vector.broadcast %sub3A_285 : i32 to vector<1x40xi32>
      %sub3A_287 = arith.subi %broadcast_in_dim3A_284, %sub3A_286 : vector<1x40xi32>
      %iota3A_288 = tpu.iota {dimensions = array<i32: 0>} : vector<8x40xi32>
      %eq3A_289 = vector.broadcast %sub3A_287 : vector<1x40xi32> to vector<8x40xi32>
      %eq3A_290 = arith.cmpi eq, %iota3A_288, %eq3A_289 : vector<8x40xi32>
      %jit3A_291 = arith.constant 0.000000e+00 : f32
      %broadcast_in_dim3A_292 = vector.shape_cast %broadcast_in_dim3A_268 : vector<8x1xf32> to vector<8x1xf32>
      %broadcast_in_dim3A_293 = vector.broadcast %broadcast_in_dim3A_292 : vector<8x1xf32> to vector<8x40xf32>
      %broadcast_in_dim3A_294 = vector.broadcast %jit3A_291 : f32 to vector<8x40xf32>
      %select_n3A_295 = arith.select %eq3A_290, %broadcast_in_dim3A_293, %broadcast_in_dim3A_294 : vector<8x40xi1>, vector<8x40xf32>
      %reduce_sum3A_296 = arith.constant dense<0.000000e+00> : vector<40xf32>
      %reduce_sum3A_297 = vector.multi_reduction <add>, %select_n3A_295, %reduce_sum3A_296 [0] : vector<8x40xf32> to vector<40xf32>
      %broadcast_in_dim3A_298 = vector.shape_cast %reduce_sum3A_297 : vector<40xf32> to vector<1x40xf32>
      %sub3A_299 = arith.subf %convert_element_type3A_278, %broadcast_in_dim3A_298 : vector<1x40xf32>
      %div3A_300 = arith.constant 2.560000e+02 : f32
      %div3A_301 = vector.broadcast %div3A_300 : f32 to vector<1x40xf32>
      %div3A_302 = arith.divf %sub3A_299, %div3A_301 : vector<1x40xf32>
      %convert_element_type3A_303 = arith.fptosi %div3A_302 : vector<1x40xf32> to vector<1x40xi32>
      %lt3A = vector.broadcast %reduce_sum3A_273 : f32 to vector<1x40xf32>
      %lt3A_304 = arith.cmpf olt, %convert_element_type3A_278, %lt3A : vector<1x40xf32>
      %mul3A_305 = arith.constant 16 : i32
      %mul3A_306 = vector.broadcast %mul3A_305 : i32 to vector<1x40xi32>
      %mul3A_307 = arith.muli %sub3A_287, %mul3A_306 : vector<1x40xi32>
      %add3A_308 = arith.addi %mul3A_307, %convert_element_type3A_303 : vector<1x40xi32>
      %jit3A_309 = arith.constant 128 : i32
      %broadcast_in_dim3A_310 = vector.broadcast %jit3A_309 : i32 to vector<1x40xi32>
      %select_n3A_311 = arith.select %lt3A_304, %add3A_308, %broadcast_in_dim3A_310 : vector<1x40xi1>, vector<1x40xi32>
      %swap3A_312 = arith.constant 0 : index
      %swap3A_313 = arith.constant 0 : index
      %swap3A_314 = vector.load %arg14[%swap3A_312, %swap3A_313] : memref<8x40xi32, #tpu.memory_space<vmem>>, vector<1x40xi32>
      tpu.vector_store %arg14[%swap3A_312, %swap3A_313], %sub3A_287 {strides = array<i32>} : memref<8x40xi32, #tpu.memory_space<vmem>>, vector<1x40xi32>,
      %swap3A_315 = arith.constant 0 : index
      %swap3A_316 = arith.constant 0 : index
      %swap3A_317 = vector.load %arg15[%swap3A_315, %swap3A_316] : memref<8x40xi32, #tpu.memory_space<vmem>>, vector<1x40xi32>
      tpu.vector_store %arg15[%swap3A_315, %swap3A_316], %select_n3A_311 {strides = array<i32>} : memref<8x40xi32, #tpu.memory_space<vmem>>, vector<1x40xi32>,
    } else {
    }
    return
  }
  func.func @transform_0(%arg0: i32) -> (i32, i32) {
    %c0_i32 = arith.constant 0 : i32
    %c0_i32_0 = arith.constant 0 : i32
    return %arg0, %c0_i32 : i32, i32
  }
  func.func @transform_1(%arg0: i32) -> (i32, i32) {
    %c0_i32 = arith.constant 0 : i32
    %c0_i32_0 = arith.constant 0 : i32
    %c0_i32_1 = arith.constant 0 : i32
    return %c0_i32, %c0_i32_0 : i32, i32
  }
  func.func @transform_2(%arg0: i32) -> (i32, i32) {
    %c0_i32 = arith.constant 0 : i32
    %c0_i32_0 = arith.constant 0 : i32
    %c0_i32_1 = arith.constant 0 : i32
    return %c0_i32, %c0_i32_0 : i32, i32
  }
  func.func @transform_3(%arg0: i32) -> (i32, i32, i32) {
    %c0_i32 = arith.constant 0 : i32
    %c0_i32_0 = arith.constant 0 : i32
    %c0_i32_1 = arith.constant 0 : i32
    return %arg0, %c0_i32, %c0_i32_0 : i32, i32, i32
  }
  func.func @transform_4(%arg0: i32) -> (i32, i32, i32) {
    %c0_i32 = arith.constant 0 : i32
    %c0_i32_0 = arith.constant 0 : i32
    %c0_i32_1 = arith.constant 0 : i32
    return %arg0, %c0_i32, %c0_i32_0 : i32, i32, i32
  }
  func.func @transform_5(%arg0: i32) -> (i32, i32, i32) {
    %c0_i32 = arith.constant 0 : i32
    %c0_i32_0 = arith.constant 0 : i32
    %c0_i32_1 = arith.constant 0 : i32
    return %arg0, %c0_i32, %c0_i32_0 : i32, i32, i32
  }
  func.func @transform_6(%arg0: i32) -> (i32, i32) {
    %c0_i32 = arith.constant 0 : i32
    %c0_i32_0 = arith.constant 0 : i32
    return %arg0, %c0_i32 : i32, i32
  }
  func.func @transform_7(%arg0: i32) -> (i32, i32) {
    %c0_i32 = arith.constant 0 : i32
    %c0_i32_0 = arith.constant 0 : i32
    return %arg0, %c0_i32 : i32, i32
  }
  func.func @transform_8(%arg0: i32) -> (i32, i32) {
    %c0_i32 = arith.constant 0 : i32
    %c0_i32_0 = arith.constant 0 : i32
    return %arg0, %c0_i32 : i32, i32
  }
  func.func @transform_9(%arg0: i32) -> (i32, i32) {
    %c0_i32 = arith.constant 0 : i32
    %c0_i32_0 = arith.constant 0 : i32
    return %arg0, %c0_i32 : i32, i32
  }
  func.func @transform_10(%arg0: i32) -> (i32, i32) {
    %c0_i32 = arith.constant 0 : i32
    %c0_i32_0 = arith.constant 0 : i32
    %c0_i32_1 = arith.constant 0 : i32
    return %c0_i32, %c0_i32_0 : i32, i32
  }
  func.func @transform_11(%arg0: i32) -> (i32, i32) {
    %c0_i32 = arith.constant 0 : i32
    %c0_i32_0 = arith.constant 0 : i32
    %c0_i32_1 = arith.constant 0 : i32
    return %c0_i32, %c0_i32_0 : i32, i32
  }
  func.func @transform_12(%arg0: i32) -> (i32, i32) {
    %c0_i32 = arith.constant 0 : i32
    %c0_i32_0 = arith.constant 0 : i32
    %c0_i32_1 = arith.constant 0 : i32
    return %c0_i32, %c0_i32_0 : i32, i32
  }
  func.func @transform_13(%arg0: i32) -> (i32, i32) {
    %c0_i32 = arith.constant 0 : i32
    %c0_i32_0 = arith.constant 0 : i32
    %c0_i32_1 = arith.constant 0 : i32
    return %c0_i32, %c0_i32_0 : i32, i32
  }
  func.func @transform_14(%arg0: i32) -> (i32, i32) {
    %c0_i32 = arith.constant 0 : i32
    %c0_i32_0 = arith.constant 0 : i32
    %c0_i32_1 = arith.constant 0 : i32
    return %c0_i32, %c0_i32_0 : i32, i32
  }
  func.func @transform_15(%arg0: i32) -> (i32, i32, i32) {
    %c0_i32 = arith.constant 0 : i32
    %c0_i32_0 = arith.constant 0 : i32
    %c0_i32_1 = arith.constant 0 : i32
    return %arg0, %c0_i32, %c0_i32_0 : i32, i32, i32
  }
  func.func @transform_16(%arg0: i32) -> (i32, i32, i32) {
    %c0_i32 = arith.constant 0 : i32
    %c0_i32_0 = arith.constant 0 : i32
    %c0_i32_1 = arith.constant 0 : i32
    return %arg0, %c0_i32, %c0_i32_0 : i32, i32, i32
  }
  func.func @transform_17(%arg0: i32) -> (i32, i32, i32) {
    %c0_i32 = arith.constant 0 : i32
    %c0_i32_0 = arith.constant 0 : i32
    %c0_i32_1 = arith.constant 0 : i32
    return %arg0, %c0_i32, %c0_i32_0 : i32, i32, i32
  }
}

module attributes {stable_mosaic.version = 14 : i64} {
  func.func @_cmb_kernel(%arg0: i32, %arg1: memref<512x2x512xi32, #tpu.memory_space<vmem>>, %arg2: memref<512x2xf32, #tpu.memory_space<vmem>>, %arg3: memref<512x1024xf32, #tpu.memory_space<vmem>>) attributes {dimension_semantics = [#tpu.dimension_semantics<arbitrary>], iteration_bounds = array<i64: 8>, scalar_prefetch = 0 : i64, scratch_operands = 0 : i64, tpu.core_type = #tpu.core_type<tc>, window_params = [{transform_indices = @transform_0, window_bounds = array<i64: 512, 2, 512>}, {transform_indices = @transform_1, window_bounds = array<i64: 512, 2>}, {transform_indices = @transform_2, window_bounds = array<i64: 512, 1024>}]} {
    %get3A = arith.constant 0 : index
    %get3A_0 = arith.constant 0 : index
    %get3A_1 = arith.constant 0 : index
    %get3A_2 = vector.load %arg1[%get3A, %get3A_0, %get3A_1] : memref<512x2x512xi32, #tpu.memory_space<vmem>>, vector<512x2x512xi32>
    %bitcast_convert_type3A = tpu.bitcast %get3A_2 : vector<512x2x512xi32> -> vector<512x2x512xi32>
    %shift_left3A = arith.constant 16 : i32
    %shift_left3A_3 = vector.broadcast %shift_left3A : i32 to vector<512x2x512xi32>
    %shift_left3A_4 = arith.shli %bitcast_convert_type3A, %shift_left3A_3 : vector<512x2x512xi32>
    %bitcast_convert_type3A_5 = tpu.bitcast %shift_left3A_4 : vector<512x2x512xi32> -> vector<512x2x512xf32>
    %and3A = arith.constant -65536 : i32
    %and3A_6 = vector.broadcast %and3A : i32 to vector<512x2x512xi32>
    %and3A_7 = arith.andi %bitcast_convert_type3A, %and3A_6 : vector<512x2x512xi32>
    %bitcast_convert_type3A_8 = tpu.bitcast %and3A_7 : vector<512x2x512xi32> -> vector<512x2x512xf32>
    %concatenate3A = tpu.concatenate %bitcast_convert_type3A_5, %bitcast_convert_type3A_8 in 2 : vector<512x2x512xf32>, vector<512x2x512xf32> -> vector<512x2x1024xf32>
    %get3A_9 = arith.constant 0 : index
    %get3A_10 = arith.constant 0 : index
    %get3A_11 = vector.load %arg2[%get3A_9, %get3A_10] : memref<512x2xf32, #tpu.memory_space<vmem>>, vector<512x2xf32>
    %slice3A = vector.extract_strided_slice %get3A_11 {offsets = [0, 0], sizes = [512, 1], strides = [1, 1]} : vector<512x2xf32> to vector<512x1xf32>
    %slice3A_12 = vector.extract_strided_slice %concatenate3A {offsets = [0, 0, 0], sizes = [512, 1, 1024], strides = [1, 1, 1]} : vector<512x2x1024xf32> to vector<512x1x1024xf32>
    %squeeze3A = vector.shape_cast %slice3A_12 : vector<512x1x1024xf32> to vector<512x1024xf32>
    %mul3A = vector.broadcast %slice3A : vector<512x1xf32> to vector<512x1024xf32>
    %mul3A_13 = arith.mulf %mul3A, %squeeze3A : vector<512x1024xf32>
    %slice3A_14 = vector.extract_strided_slice %get3A_11 {offsets = [0, 1], sizes = [512, 1], strides = [1, 1]} : vector<512x2xf32> to vector<512x1xf32>
    %slice3A_15 = vector.extract_strided_slice %concatenate3A {offsets = [0, 1, 0], sizes = [512, 1, 1024], strides = [1, 1, 1]} : vector<512x2x1024xf32> to vector<512x1x1024xf32>
    %squeeze3A_16 = vector.shape_cast %slice3A_15 : vector<512x1x1024xf32> to vector<512x1024xf32>
    %mul3A_17 = vector.broadcast %slice3A_14 : vector<512x1xf32> to vector<512x1024xf32>
    %mul3A_18 = arith.mulf %mul3A_17, %squeeze3A_16 : vector<512x1024xf32>
    %add3A = arith.addf %mul3A_13, %mul3A_18 : vector<512x1024xf32>
    %swap3A = arith.constant 0 : index
    %swap3A_19 = arith.constant 0 : index
    %swap3A_20 = vector.load %arg3[%swap3A, %swap3A_19] : memref<512x1024xf32, #tpu.memory_space<vmem>>, vector<512x1024xf32>
    tpu.vector_store %arg3[%swap3A, %swap3A_19], %add3A {strides = array<i32>} : memref<512x1024xf32, #tpu.memory_space<vmem>>, vector<512x1024xf32>,
    return
  }
  func.func @transform_0(%arg0: i32) -> (i32, i32, i32) {
    %c0_i32 = arith.constant 0 : i32
    %c0_i32_0 = arith.constant 0 : i32
    %c0_i32_1 = arith.constant 0 : i32
    return %arg0, %c0_i32, %c0_i32_0 : i32, i32, i32
  }
  func.func @transform_1(%arg0: i32) -> (i32, i32) {
    %c0_i32 = arith.constant 0 : i32
    %c0_i32_0 = arith.constant 0 : i32
    return %arg0, %c0_i32 : i32, i32
  }
  func.func @transform_2(%arg0: i32) -> (i32, i32) {
    %c0_i32 = arith.constant 0 : i32
    %c0_i32_0 = arith.constant 0 : i32
    return %arg0, %c0_i32 : i32, i32
  }
}

</mosaic_0001>

<sc_bundles>
// kernel: kernel.10.cloned.1.call-start
scs
__scs_entry_jumppad:
0x0: {  	(pc) =	sbr.rel $0x88, $3  }
0x1: {  	(tag) =	ssettag $0x0;
	lr =	simm.s32 $0x1  }
0x2: {  	[smem:$0x3F9B] =	sst lr;
	_ =	strace $0xD0000000  }
0x3: {  	_ = 	snop  }
0x4: {  	_ = 	snop  }
0x5: {  	_ = 	snop  }
0x6: {  	_ = 	snop  }
0x7: {  	_ = 	snop  }
__scs_overlays_trampoline_lowered:
0x8: {  	[smem:$0x3FAA] =	sst s0  }
0x9: {  	[smem:$0x3FAB] =	sst s1  }
0xa: {  	[smem:$0x3FAC] =	sst s2  }
0xb: {  	[smem:$0x3FAD] =	sst s3  }
0xc: {  	[smem:$0x3FAE] =	sst s4  }
0xd: {  	[smem:$0x3FAF] =	sst s5  }
0xe: {  	[smem:$0x3FB0] =	sst s6  }
0xf: {  	[smem:$0x3FB1] =	sst s7  }
0x10: {  	[smem:$0x3FB2] =	sst s8  }
0x11: {  	[smem:$0x3FB3] =	sst s9;
	s0 =	simm.s32 @!p0 $0x0  }
0x12: {  	s1 =	sld [smem:$0x3F99];
	s0 =	simm.s32 @p0 $0x1  }
0x13: {  	[smem:$0x3FB4] =	sst s0;
	s0 =	simm.s32 @!p1 $0x0  }
0x14: {  	s2 =	sld [smem:$0x3F98];
	s0 =	simm.s32 @p1 $0x1  }
0x15: {  	[smem:$0x3FB5] =	sst s0;
	s0 =	simm.s32 @!p2 $0x0  }
0x16: {  	s3 =	sld [smem:$0x3FDB];
	s0 =	simm.s32 @p2 $0x1  }
0x17: {  	s4 =	simm.s32 $0x1BF5;
	[smem:$0x3FB7] =	sst s0  }
0x18: {  	s0 =	sld [smem:$0x3F9A];
	_ =	swait.ge [sflag:s4], $0x0  }
0x19: {  	s7 =	sld [smem:$0x3F9B]  }
0x1a: {  	s8 =	sadd.s32 $0xFFFFE003, lr  }
0x1b: {  	s9 =	sadd.s32 $0xFFFFFEF7, lr;
	s5 =	simm.s32 $0xFFFFFFFF;
	p2 =	slt.u32 s8, $0xFFFFF086  }
0x1c: {  	p1 =	slt.u32 s9, $0xF7A;
	s5 =	simm.s32 @!p2 $0x0  }
0x1d: {  	s5 =	simm.s32 @p1 $0x1;
	p0 =	seq.s32 s7, s2  }
0x1e: {  	s7 =	smul.u32 @!p0 $0xF7A, s2;
	p2 =	seq.s32 @!p0 s5, $0x0  }
0x1f: {  	s9 =	smul.u32 $0xF7A, s1;
	s8 =	simm.s32 @!p0 $0x1BF5;
	p2 =	por !p2, p0  }
0x20: {  	[sflag:s8] =	ssyncset.s32 @!p0 $0xFFFFF086;
	s6 =	sadd.s32 @!p0 s3, s7;
	s7 =	simm.s32 @!p0 $0x108  }
0x21: {  	s3 =	sadd.s32 s3, s9;
	s6 =	sadd.s32 @!p0 $0x88, s6;
	s7 =	simm.s32 @p2 $0x1082  }
0x22: {  	[simem:s7], [sflag:s8] =	dma.local @!p0 [hbm:s6], $0xF7A  }
0x23: {  	s9 =	sor.u32 $0xD0000000, s2;
	s6 =	simm.s32 $0x108;
	_ =	swait.ge @!p0 [sflag:s8], $0x0  }
0x24: {  	s3 =	sadd.s32 $0x88, s3;
	s6 =	simm.s32 @!p1 $0x1082;
	[sflag:s4] =	ssyncset.s32 $0xFFFFF086  }
0x25: {  	[simem:s6], [sflag:s4] =	dma.local [hbm:s3], $0xF7A  }
0x26: {  	[smem:$0x3F9B] =	sst s1;
	(tag) =	ssettag s2;
	_ =	strace s9  }
0x27: {  	s1 =	sld [smem:$0x3FAB]  }
0x28: {  	s2 =	sld [smem:$0x3FAC]  }
0x29: {  	s4 =	sld [smem:$0x3FAE]  }
0x2a: {  	p0 =	seq.s32 s5, $0x0;
	s5 =	sld [smem:$0x3FAF]  }
0x2b: {  	s6 =	sld [smem:$0x3FB0]  }
0x2c: {  	s7 =	sld [smem:$0x3FB1]  }
0x2d: {  	s3 =	simm.s32 $0x108;
	s8 =	sld [smem:$0x3FB2]  }
0x2e: {  	s3 =	simm.s32 @!p0 $0x1082;
	s9 =	sld [smem:$0x3FB3]  }
0x2f: {  	lr =	sadd.s32 s0, s3;
	s0 =	sld [smem:$0x3FAA]  }
0x30: {  	s3 =	sld [smem:$0x3FAD]  }
0x31: {  	[smem:$0x3FB6] =	sst s10  }
0x32: {  	s10 =	sld [smem:$0x3FB4];
	_ =	sdelay $0x3  }
0x33: {  	p0 =	seq.s32 s10, $0x1;
	s10 =	sld [smem:$0x3FB6];
	_ =	sdelay $0x3  }
0x34: {  	[smem:$0x3FB6] =	sst s10  }
0x35: {  	s10 =	sld [smem:$0x3FB5];
	_ =	sdelay $0x3  }
0x36: {  	p1 =	seq.s32 s10, $0x1;
	s10 =	sld [smem:$0x3FB6];
	_ =	sdelay $0x3  }
0x37: {  	[smem:$0x3FB6] =	sst s10  }
0x38: {  	s10 =	sld [smem:$0x3FB7]  }
0x39: {  	_ = 	snop;
	(pc) =	sbr.ind lr, $3  }
0x3a: {  	_ = 	snop  }
0x3b: {  	_ = 	snop  }
0x3c: {  	p2 =	seq.s32 s10, $0x1;
	s10 =	sld [smem:$0x3FB6]  }
0x3d: {  	_ =	shalt  }
0x3e: {  	_ =	shalt  }
0x3f: {  	_ =	shalt  }
0x40: {  	_ =	shalt  }
0x41: {  	_ =	shalt  }
0x42: {  	_ =	shalt  }
0x43: {  	_ =	shalt  }
0x44: {  	_ =	shalt  }
0x45: {  	_ =	shalt  }
0x46: {  	_ =	shalt  }
0x47: {  	_ =	shalt  }
0x48: {  	_ =	shalt  }
0x49: {  	_ =	shalt  }
0x4a: {  	_ =	shalt  }
0x4b: {  	_ =	shalt  }
0x4c: {  	_ =	shalt  }
0x4d: {  	_ =	shalt  }
0x4e: {  	_ =	shalt  }
0x4f: {  	_ =	shalt  }
0x50: {  	_ =	shalt  }
0x51: {  	_ =	shalt  }
0x52: {  	_ =	shalt  }
0x53: {  	_ =	shalt  }
0x54: {  	_ =	shalt  }
0x55: {  	_ =	shalt  }
0x56: {  	_ =	shalt  }
0x57: {  	_ =	shalt  }
0x58: {  	_ =	shalt  }
0x59: {  	_ =	shalt  }
0x5a: {  	_ =	shalt  }
0x5b: {  	_ =	shalt  }
0x5c: {  	_ =	shalt  }
0x5d: {  	_ =	shalt  }
0x5e: {  	_ =	shalt  }
0x5f: {  	_ =	shalt  }
0x60: {  	_ =	shalt  }
0x61: {  	_ =	shalt  }
0x62: {  	_ =	shalt  }
0x63: {  	_ =	shalt  }
0x64: {  	_ =	shalt  }
0x65: {  	_ =	shalt  }
0x66: {  	_ =	shalt  }
0x67: {  	_ =	shalt  }
0x68: {  	_ =	shalt  }
0x69: {  	_ =	shalt  }
0x6a: {  	_ =	shalt  }
0x6b: {  	_ =	shalt  }
0x6c: {  	_ =	shalt  }
0x6d: {  	_ =	shalt  }
0x6e: {  	_ =	shalt  }
0x6f: {  	_ =	shalt  }
0x70: {  	_ =	shalt  }
0x71: {  	_ =	shalt  }
0x72: {  	_ =	shalt  }
0x73: {  	_ =	shalt  }
0x74: {  	_ =	shalt  }
0x75: {  	_ =	shalt  }
0x76: {  	_ =	shalt  }
0x77: {  	_ =	shalt  }
0x78: {  	_ =	shalt  }
0x79: {  	_ =	shalt  }
0x7a: {  	_ =	shalt  }
0x7b: {  	_ =	shalt  }
0x7c: {  	_ =	shalt  }
0x7d: {  	_ =	shalt  }
0x7e: {  	_ =	shalt  }
0x7f: {  	_ =	shalt  }
0x80: {  	_ =	shalt  }
0x81: {  	_ =	shalt  }
0x82: {  	_ =	shalt  }
0x83: {  	_ =	shalt  }
0x84: {  	_ =	shalt  }
0x85: {  	_ =	shalt  }
0x86: {  	_ =	shalt  }
0x87: {  	_ =	shalt  }
.Lfunc_end0:
.L_simem_size_0:
called_computation.1_lowered:
.L_overlay_start_0:
0x88: {  	s2 =	sld [smem:$0x3FD9]  }
0x89: {  	s3 =	sld [smem:$0x3FFE];
	_ =	sdelay $0x1  }
0x8a: {  	s1 =	srdreg.scid  }
0x8b: {  	s0 =	sand.u32 $0x1, s1  }
0x8c: {  	s14 =	sshll.u32 s0, $0xA;
	s2 =	sadd.s32 s3, s2  }
0x8d: {  	s2 =	sadd.s32 s2, s14  }
0x8e: {  	[smem:$0x3FC2] =	sst s2  }
0x8f: {  	_ = 	snop  }
0x90: {  	s2 =	sld [smem:$0x3FD0];
	_ =	sdelay $0x2  }
0x91: {  	s15 =	simm.s32 $0xA;
	s4 =	simm.s32 $0x10  }
0x92: {  	[smem:s4], [sflag:s15] =	dma.local [hbm:s2], $0x1  }
0x93: {  	_ =	swait.eq [sflag:s15], $0x1  }
0x94: {  	[sflag:s15] =	ssyncset.done $0x0  }
0x95: {  	[sflag:s15] =	ssyncadd.s32 $0xFFFFFFFF  }
0x96: {  	s16 =	sld [smem:$0x10];
	(tm) =	ssettm $0x1  }
0x97: {  	s17 =	sld [smem:$0x3FFB];
	_ =	sdelay $0x3  }
0x98: {  	_ =	strace s17  }
0x99: {  	s3 =	sld [smem:$0x3FFC];
	_ =	sdelay $0x3  }
0x9a: {  	_ =	strace s3  }
0x9b: {  	s3 =	sld [smem:$0x3FFD];
	_ =	sdelay $0x3  }
0x9c: {  	_ =	strace s3  }
0x9d: {  	_ =	strace $0x8FFFFFFF  }
0x9e: {  	s18 =	sld [smem:$0x3FDB];
	_ =	sdelay $0x1  }
0x9f: {  	s19 =	simm.s32 $_scs_section_size  }
0xa0: {  	s5 =	simm.s32 $_size__tile_overlayer_lowered;
	s6 =	simm.s32 $_tile_overlayer_lowered  }
0xa1: {  	s22 =	simm.s32 $0x1BFF;
	s21 =	sshll.u32 s6, $0x1;
	s3 =	sadd.s32 s19, s18  }
0xa2: {  	s7 =	simm.s32 $0x0;
	s20 =	sshll.u32 s5, $0x1;
	s5 =	sadd.s32 s21, s3  }
0xa3: {  	[timem:s7], [sflag:s22] =	dma.local [hbm:s5], s20  }
0xa4: {  	_ =	swait.ge [sflag:s22], s20  }
0xa5: {  	s4 =	ssub.s32 $0x0, s20;
	[sflag:s22] =	ssyncset.done $0x0  }
0xa6: {  	[sflag:s22] =	ssyncadd.s32 s4;
	_ =	sdelay $0x1  }
0xa7: {  	s23 =	simm.s32 $0x1B8B  }
0xa8: {  	_ =	swait.ge [sflag:s23], $0x1  }
0xa9: {  	[sflag:s23] =	ssyncset.done $0x0  }
0xaa: {  	s25 =	simm.s32 $0x1B8E;
	s24 =	sld [smem:$0x3FFE];
	[sflag:s23] =	ssyncadd.s32 $0xFFFFFFFF  }
0xab: {  	s26 =	simm.s32 $execute0_lowered;
	[smem:$0x3FD2] =	sst s25  }
0xac: {  	s5 =	sshll.u32 s26, $0x1;
	_ =	strace $0x80000049;
	[dreg:$0x1] =	wrdreg $0xFFFFFFFF  }
0xad: {  	s28 =	simm.s32 $_size_execute0_lowered;
	s3 =	sadd.s32 s3, s5;
	[dreg:$0x0] =	wrdreg $0x0  }
0xae: {  	s5 =	sshll.u32 s28, $0x1;
	[dreg:$0x2] =	wrdreg s3  }
0xaf: {  	[dreg:$0x3] =	wrdreg s5  }
0xb0: {  	[dreg:$0x4] =	wrdreg $0xC0  }
0xb1: {  	_ =	task [dreg:s7], $0x5FFFF  }
0xb2: {  	[dreg:$0x1] =	wrdreg $0xFFFFFFFF  }
0xb3: {  	[dreg:$0x0] =	wrdreg $0x60  }
0xb4: {  	[dreg:$0x2] =	wrdreg s24  }
0xb5: {  	[dreg:$0x3] =	wrdreg s16  }
0xb6: {  	[dreg:$0x4] =	wrdreg $0x9  }
0xb7: {  	_ =	task.clear_ibuf [dreg:s7], $0x5FFFF;
	_ =	strace $0x90000049  }
0xb8: {  	s29 =	simm.s32 $0x9;
	_ =	strace $0x8000004B  }
0xb9: {  	_ =	swait.ge [sflag:s29], $0x1  }
0xba: {  	[sflag:s29] =	ssyncadd.s32 $0xFFFFFFFF  }
0xbb: {  	_ =	strace $0x9000004B  }
0xbc: {  	_ =	sfence  }
0xbd: {  	s30 =	sld [smem:$0x0];
	_ =	sdelay $0x2  }
0xbe: {  	s31 =	sshll.u32 s1, $0xD;
	s1 =	sshrl.u32 s1, $0x2  }
0xbf: {  	s3 =	sand.u32 $0x4000, s31;
	s1 =	sadd.s32 s1, s30  }
0xc0: {  	s0 =	sor.u32 s3, s0;
	s1 =	sshll.u32 s1, $0x11  }
0xc1: {  	s0 =	sor.u32 s1, s0  }
0xc2: {  	s0 =	sadd.s32 $0x8F2B, s0  }
0xc3: {  	[sflag:s0] =	ssyncadd.remote.s32 $0x1  }
0xc4: {  	_ =	sfence.sel $0xFFFF  }
0xc5: {  	[dreg:$0x0] =	wrdreg $0xFFFFFFFF;
	(pc) =	sbr.abs _section_cstart, $3  }
0xc6: {  	[dreg:$0x1] =	wrdreg $0xFFFFFFFF  }
0xc7: {  	_ =	task.clear_ibuf [dreg:s7], $0x2FFFF;
	_ =	strace $0x9FFFFFFF  }
0xc8: {  	(tm) =	ssettm $0x7FFFFFFF  }
0xc9: {  	_ =	shalt  }
tec
execute0_lowered:
.L_overlay_start_1:
0x0: {  	(tag) =	ssettag $0x1  }
0x1: {  	s1 =	srdreg.scid;
	s0 =	stileid.u32  }
0x2: {  	s5 =	rddreg [dreg:$0x0];
	s1 =	sand.u32 $0x1, s1;
	s2 =	sshll.u32 s0, $0x1  }
0x3: {  	s3 =	rddreg [dreg:$0x1];
	s4 =	sor.u32 s1, s2;
	s2 =	simm.s32 $0x0  }
0x4: {  	s19 =	simm.s32 $0x8A00;
	[smem:$0x7FF] =	sst s2  }
0x5: {  	s20 =	simm.s32 $0x9200;
	_ =	strace $0x8000004A;
	[dreg:$0x7] =	wrdreg s19  }
0x6: {  	s21 =	simm.s32 $0x9A00;
	[dreg:$0x8] =	wrdreg s20  }
0x7: {  	s22 =	simm.s32 $0xA200;
	[dreg:$0x9] =	wrdreg s21  }
0x8: {  	s23 =	simm.s32 $0xAA00;
	[dreg:$0xa] =	wrdreg s22  }
0x9: {  	s24 =	simm.s32 $0xB200;
	[dreg:$0xb] =	wrdreg s23  }
0xa: {  	s25 =	simm.s32 $0xBA00;
	s26 =	simm.s32 $0xC200;
	[dreg:$0xc] =	wrdreg s24  }
0xb: {  	s8 =	simm.s32 $0xE200;
	s9 =	simm.s32 $0xEA00;
	[dreg:$0xd] =	wrdreg s25  }
0xc: {  	s10 =	simm.s32 $0xF200;
	s0 =	simm.s32 $0xCA00;
	[dreg:$0xe] =	wrdreg s26  }
0xd: {  	s11 =	simm.s32 $0xFA00;
	s12 =	simm.s32 $0x10A00;
	[dreg:$0xf] =	wrdreg s0  }
0xe: {  	s13 =	simm.s32 $0x11200;
	s14 =	simm.s32 $0x11A00;
	[dreg:$0x12] =	wrdreg s8  }
0xf: {  	s15 =	simm.s32 $0x12200;
	s28 =	simm.s32 $0x4;
	[dreg:$0x13] =	wrdreg s9  }
0x10: {  	s29 =	simm.s32 $0x2;
	s30 =	simm.s32 $0x3;
	[dreg:$0x14] =	wrdreg s10  }
0x11: {  	s31 =	simm.s32 $0x5;
	s1 =	ssub.s32 $0x2, s1;
	[dreg:$0x15] =	wrdreg s11  }
0x12: {  	s6 =	sshll.u32 s4, $0x6;
	s4 =	sshll.u32 s4, $0xE;
	[dreg:$0x16] =	wrdreg s12  }
0x13: {  	s7 =	sshrl.u32 s1, $0x1;
	s6 =	sadd.s32 s6, s5;
	[dreg:$0x17] =	wrdreg s13  }
0x14: {  	s16 =	sadd.s32 s3, s4;
	s3 =	simm.s32 $0xD200;
	[dreg:$0x18] =	wrdreg s14  }
0x15: {  	s1 =	ssub.s32 s1, s7;
	s7 =	simm.s32 $0xDA00;
	[dreg:$0x19] =	wrdreg s15  }
0x16: {  	s8 =	simm.s32 $0x200;
	s9 =	simm.s32 $0xA00;
	[smem:$0x7F8] =	sst s16  }
0x17: {  	s10 =	simm.s32 $0x1200;
	s11 =	simm.s32 $0x1A00;
	[dreg:$0x10] =	wrdreg s3  }
0x18: {  	s12 =	simm.s32 $0x2200;
	s19 =	simm.s32 $0x14200;
	[dreg:$0x11] =	wrdreg s7  }
0x19: {  	s13 =	simm.s32 $0x2A00;
	s20 =	simm.s32 $0x14A00;
	[dreg:$0x1d] =	wrdreg s19  }
0x1a: {  	s14 =	simm.s32 $0x3200;
	s21 =	simm.s32 $0x15200;
	[dreg:$0x1e] =	wrdreg s20  }
0x1b: {  	s15 =	simm.s32 $0x3A00;
	s22 =	simm.s32 $0x15A00;
	[dreg:$0x1f] =	wrdreg s21  }
0x1c: {  	s23 =	simm.s32 $0x16200;
	s24 =	simm.s32 $0x16A00;
	[smem:$0x7F9] =	sst s22  }
0x1d: {  	s25 =	simm.s32 $0x17200;
	s26 =	simm.s32 $0x17A00;
	[smem:$0x7FA] =	sst s23  }
0x1e: {  	s6 =	sadd.s32 $0xD2E00, s6;
	s4 =	sadd.s32 $0x1000, s16;
	[smem:$0x7FB] =	sst s24  }
0x1f: {  	s17 =	sadd.s32 $0x2000, s16;
	s18 =	sadd.s32 $0x3000, s16;
	[smem:$0x7FC] =	sst s25  }
0x20: {  	s7 =	simm.s32 $0x7;
	s16 =	simm.s32 $0x12A00;
	[smem:$0x7FD] =	sst s26  }
0x21: {  	s19 =	simm.s32 $0x5A00;
	s20 =	simm.s32 $0x6200;
	[dreg:$0x3] =	wrdreg s6  }
0x22: {  	s21 =	simm.s32 $0x6A00;
	s22 =	simm.s32 $0x7200;
	[dreg:$0x4] =	wrdreg s4  }
0x23: {  	s23 =	simm.s32 $0x7A00;
	s24 =	simm.s32 $0x8200;
	[dreg:$0x5] =	wrdreg s17  }
0x24: {  	s25 =	simm.s32 $0x10200;
	s26 =	simm.s32 $0x1;
	[dreg:$0x6] =	wrdreg s18  }
0x25: {  	s4 =	sadd.s32 $0x2D7600, s5;
	s5 =	sadd.s32 $0x2D7700, s5;
	s6 =	smax.u32 s1, $0x1  }
0x26: {  	v2 =	vlaneseq.u32;
	[dreg:$0x1a] =	wrdreg s16;
	s17 =	simm.s32 $0x13200;
	s18 =	simm.s32 $0x13A00  }
0x27: {  	vm0 =	vmmov $0xffff;
	v1 =	vshrl.u32 v2, $0x3;
	s16 =	simm.s32 $0x4200;
	s1 =	simm.s32 $0x6;
	[dreg:$0x1b] =	wrdreg s17  }
0x28: {  	v0 =	vand.u32 $0x7, v2;
	v2 =	vor.u32 $0x8, v2;
	v1 =	vmul.u32 $0x8, v1;
	[dreg:$0x1c] =	wrdreg s18;
	s17 =	simm.s32 $0x4A00;
	s18 =	simm.s32 $0x5200  }
.LBB2_1:
0x29: {  	s0 =	rddreg [dreg:$0x3]  }
0x2a: {  	[tilespmem:s2], [sflag:$0x7] =	stream.linear.gather [hbm4b:s0+s2], $0x200, $0x38;
	[tilespmem:$0x18200] =	vst v63  }
0x2b: {  	_ =	swait.ge [sflag:s7], $0x200  }
0x2c: {  	[sflag:s7] =	ssyncset.done $0x0  }
0x2d: {  	[sflag:s7] =	ssyncadd.s32 $0xFFFFFE00  }
0x2e: {  	v3 =	vld [tilespmem:$0x0];
	_ =	sdelay $0x4  }
0x2f: {  	v4 =	vshll.u32 v3, $0x2  }
0x30: {  	v3 =	vand.u32 $0x7, v3;
	v4 =	vand.u32 $0xFFFFFFE0, v4  }
0x31: {  	v3 =	vor.u32 v3, v4  }
0x32: {  	v4 =	vperm.xlane v3, v0;
	_ =	sdelay $0x1  }
0x33: {  	v4 =	vadd.s32 v1, v4;
	_ =	sdelay $0x1  }
0x34: {  	v3 =	vperm.xlane v3, v2;
	_ =	sdelay $0x1  }
0x35: {  	v3 =	vadd.s32 v1, v3  }
0x36: {  	[tilespmem:s8], [sflag:$0x1] =	stream.indirect_vreg.gather [hbm4b:s4+s2], $0x80, v4, vm0, $0xb8;
	[tilespmem:$0x18200] =	vst v63  }
0x37: {  	_ = 	snop  }
0x38: {  	[tilespmem:s9], [sflag:$0x1] =	stream.indirect_vreg.gather [hbm4b:s5+s2], $0x80, v4, vm0, $0xb8;
	[tilespmem:$0x18200] =	vst v63  }
0x39: {  	_ = 	snop  }
0x3a: {  	[tilespmem:s10], [sflag:$0x1] =	stream.indirect_vreg.gather [hbm4b:s4+s2], $0x80, v3, vm0, $0xb8;
	[tilespmem:$0x18200] =	vst v63  }
0x3b: {  	_ = 	snop  }
0x3c: {  	[tilespmem:s11], [sflag:$0x1] =	stream.indirect_vreg.gather [hbm4b:s5+s2], $0x80, v3, vm0, $0xb8;
	[tilespmem:$0x18200] =	vst v63  }
0x3d: {  	v3 =	vld [tilespmem:$0x10];
	_ =	sdelay $0x4  }
0x3e: {  	v49 =	vshll.u32 v3, $0x2  }
0x3f: {  	v3 =	vand.u32 $0x7, v3;
	v4 =	vand.u32 $0xFFFFFFE0, v49  }
0x40: {  	v3 =	vor.u32 v3, v4  }
0x41: {  	v4 =	vperm.xlane v3, v0;
	_ =	sdelay $0x1  }
0x42: {  	v4 =	vadd.s32 v1, v4;
	_ =	sdelay $0x1  }
0x43: {  	v3 =	vperm.xlane v3, v2;
	_ =	sdelay $0x1  }
0x44: {  	v3 =	vadd.s32 v1, v3  }
0x45: {  	[tilespmem:s12], [sflag:$0x1] =	stream.indirect_vreg.gather [hbm4b:s4+s2], $0x80, v4, vm0, $0xb8;
	[tilespmem:$0x18200] =	vst v63  }
0x46: {  	_ = 	snop  }
0x47: {  	[tilespmem:s13], [sflag:$0x1] =	stream.indirect_vreg.gather [hbm4b:s5+s2], $0x80, v4, vm0, $0xb8;
	[tilespmem:$0x18200] =	vst v63  }
0x48: {  	_ = 	snop  }
0x49: {  	[tilespmem:s14], [sflag:$0x1] =	stream.indirect_vreg.gather [hbm4b:s4+s2], $0x80, v3, vm0, $0xb8;
	[tilespmem:$0x18200] =	vst v63  }
0x4a: {  	_ = 	snop  }
0x4b: {  	[tilespmem:s15], [sflag:$0x1] =	stream.indirect_vreg.gather [hbm4b:s5+s2], $0x80, v3, vm0, $0xb8;
	[tilespmem:$0x18200] =	vst v63  }
0x4c: {  	v3 =	vld [tilespmem:$0x20];
	_ =	sdelay $0x4  }
0x4d: {  	v50 =	vshll.u32 v3, $0x2  }
0x4e: {  	v3 =	vand.u32 $0x7, v3;
	v4 =	vand.u32 $0xFFFFFFE0, v50  }
0x4f: {  	v3 =	vor.u32 v3, v4  }
0x50: {  	v4 =	vperm.xlane v3, v0;
	_ =	sdelay $0x1  }
0x51: {  	v4 =	vadd.s32 v1, v4;
	_ =	sdelay $0x1  }
0x52: {  	v3 =	vperm.xlane v3, v2;
	_ =	sdelay $0x1  }
0x53: {  	v3 =	vadd.s32 v1, v3  }
0x54: {  	[tilespmem:s16], [sflag:$0x1] =	stream.indirect_vreg.gather [hbm4b:s4+s2], $0x80, v4, vm0, $0xb8;
	[tilespmem:$0x18200] =	vst v63  }
0x55: {  	_ = 	snop  }
0x56: {  	[tilespmem:s17], [sflag:$0x1] =	stream.indirect_vreg.gather [hbm4b:s5+s2], $0x80, v4, vm0, $0xb8;
	[tilespmem:$0x18200] =	vst v63  }
0x57: {  	_ = 	snop  }
0x58: {  	[tilespmem:s18], [sflag:$0x1] =	stream.indirect_vreg.gather [hbm4b:s4+s2], $0x80, v3, vm0, $0xb8;
	[tilespmem:$0x18200] =	vst v63  }
0x59: {  	_ = 	snop  }
0x5a: {  	[tilespmem:s19], [sflag:$0x1] =	stream.indirect_vreg.gather [hbm4b:s5+s2], $0x80, v3, vm0, $0xb8;
	[tilespmem:$0x18200] =	vst v63  }
0x5b: {  	v3 =	vld [tilespmem:$0x30];
	_ =	sdelay $0x4  }
0x5c: {  	v51 =	vshll.u32 v3, $0x2  }
0x5d: {  	v3 =	vand.u32 $0x7, v3;
	v4 =	vand.u32 $0xFFFFFFE0, v51  }
0x5e: {  	v3 =	vor.u32 v3, v4  }
0x5f: {  	v4 =	vperm.xlane v3, v0;
	_ =	sdelay $0x1  }
0x60: {  	v4 =	vadd.s32 v1, v4;
	_ =	sdelay $0x1  }
0x61: {  	v3 =	vperm.xlane v3, v2;
	_ =	sdelay $0x1  }
0x62: {  	v3 =	vadd.s32 v1, v3  }
0x63: {  	[tilespmem:s20], [sflag:$0x1] =	stream.indirect_vreg.gather [hbm4b:s4+s2], $0x80, v4, vm0, $0xb8;
	[tilespmem:$0x18200] =	vst v63  }
0x64: {  	_ = 	snop  }
0x65: {  	[tilespmem:s21], [sflag:$0x1] =	stream.indirect_vreg.gather [hbm4b:s5+s2], $0x80, v4, vm0, $0xb8;
	[tilespmem:$0x18200] =	vst v63  }
0x66: {  	_ = 	snop  }
0x67: {  	[tilespmem:s22], [sflag:$0x1] =	stream.indirect_vreg.gather [hbm4b:s4+s2], $0x80, v3, vm0, $0xb8;
	[tilespmem:$0x18200] =	vst v63  }
0x68: {  	_ = 	snop  }
0x69: {  	[tilespmem:s23], [sflag:$0x1] =	stream.indirect_vreg.gather [hbm4b:s5+s2], $0x80, v3, vm0, $0xb8;
	[tilespmem:$0x18200] =	vst v63  }
0x6a: {  	v3 =	vld [tilespmem:$0x80];
	_ =	sdelay $0x4  }
0x6b: {  	v52 =	vshll.u32 v3, $0x2  }
0x6c: {  	v3 =	vand.u32 $0x7, v3;
	v4 =	vand.u32 $0xFFFFFFE0, v52  }
0x6d: {  	v3 =	vor.u32 v3, v4  }
0x6e: {  	v4 =	vperm.xlane v3, v0;
	_ =	sdelay $0x1  }
0x6f: {  	v4 =	vadd.s32 v1, v4;
	_ =	sdelay $0x1  }
0x70: {  	v3 =	vperm.xlane v3, v2;
	_ =	sdelay $0x1  }
0x71: {  	v3 =	vadd.s32 v1, v3  }
0x72: {  	[tilespmem:s24], [sflag:$0x2] =	stream.indirect_vreg.gather [hbm4b:s4+s2], $0x80, v4, vm0, $0xb8;
	[tilespmem:$0x18200] =	vst v63  }
0x73: {  	s0 =	rddreg [dreg:$0x7]  }
0x74: {  	[tilespmem:s0], [sflag:$0x2] =	stream.indirect_vreg.gather [hbm4b:s5+s2], $0x80, v4, vm0, $0xb8;
	[tilespmem:$0x18200] =	vst v63  }
0x75: {  	s3 =	rddreg [dreg:$0x8]  }
0x76: {  	[tilespmem:s3], [sflag:$0x2] =	stream.indirect_vreg.gather [hbm4b:s4+s2], $0x80, v3, vm0, $0xb8;
	[tilespmem:$0x18200] =	vst v63  }
0x77: {  	s0 =	rddreg [dreg:$0x9]  }
0x78: {  	[tilespmem:s0], [sflag:$0x2] =	stream.indirect_vreg.gather [hbm4b:s5+s2], $0x80, v3, vm0, $0xb8;
	[tilespmem:$0x18200] =	vst v63  }
0x79: {  	v3 =	vld [tilespmem:$0x90];
	_ =	sdelay $0x4  }
0x7a: {  	v53 =	vshll.u32 v3, $0x2  }
0x7b: {  	v3 =	vand.u32 $0x7, v3;
	v4 =	vand.u32 $0xFFFFFFE0, v53  }
0x7c: {  	v3 =	vor.u32 v3, v4  }
0x7d: {  	v4 =	vperm.xlane v3, v0;
	_ =	sdelay $0x1  }
0x7e: {  	v4 =	vadd.s32 v1, v4;
	_ =	sdelay $0x1  }
0x7f: {  	v3 =	vperm.xlane v3, v2;
	_ =	sdelay $0x1  }
0x80: {  	s0 =	rddreg [dreg:$0xa];
	v3 =	vadd.s32 v1, v3  }
0x81: {  	[tilespmem:s0], [sflag:$0x2] =	stream.indirect_vreg.gather [hbm4b:s4+s2], $0x80, v4, vm0, $0xb8;
	[tilespmem:$0x18200] =	vst v63  }
0x82: {  	s3 =	rddreg [dreg:$0xb]  }
0x83: {  	[tilespmem:s3], [sflag:$0x2] =	stream.indirect_vreg.gather [hbm4b:s5+s2], $0x80, v4, vm0, $0xb8;
	[tilespmem:$0x18200] =	vst v63  }
0x84: {  	s0 =	rddreg [dreg:$0xc]  }
0x85: {  	[tilespmem:s0], [sflag:$0x2] =	stream.indirect_vreg.gather [hbm4b:s4+s2], $0x80, v3, vm0, $0xb8;
	[tilespmem:$0x18200] =	vst v63  }
0x86: {  	s3 =	rddreg [dreg:$0xd]  }
0x87: {  	[tilespmem:s3], [sflag:$0x2] =	stream.indirect_vreg.gather [hbm4b:s5+s2], $0x80, v3, vm0, $0xb8;
	[tilespmem:$0x18200] =	vst v63  }
0x88: {  	v3 =	vld [tilespmem:$0xA0];
	_ =	sdelay $0x4  }
0x89: {  	v54 =	vshll.u32 v3, $0x2  }
0x8a: {  	v3 =	vand.u32 $0x7, v3;
	v4 =	vand.u32 $0xFFFFFFE0, v54  }
0x8b: {  	v3 =	vor.u32 v3, v4  }
0x8c: {  	v4 =	vperm.xlane v3, v0;
	_ =	sdelay $0x1  }
0x8d: {  	v4 =	vadd.s32 v1, v4;
	_ =	sdelay $0x1  }
0x8e: {  	v3 =	vperm.xlane v3, v2;
	_ =	sdelay $0x1  }
0x8f: {  	s0 =	rddreg [dreg:$0xe];
	v3 =	vadd.s32 v1, v3  }
0x90: {  	[tilespmem:s0], [sflag:$0x2] =	stream.indirect_vreg.gather [hbm4b:s4+s2], $0x80, v4, vm0, $0xb8;
	[tilespmem:$0x18200] =	vst v63  }
0x91: {  	s3 =	rddreg [dreg:$0xf]  }
0x92: {  	[tilespmem:s3], [sflag:$0x2] =	stream.indirect_vreg.gather [hbm4b:s5+s2], $0x80, v4, vm0, $0xb8;
	[tilespmem:$0x18200] =	vst v63  }
0x93: {  	s0 =	rddreg [dreg:$0x10]  }
0x94: {  	[tilespmem:s0], [sflag:$0x2] =	stream.indirect_vreg.gather [hbm4b:s4+s2], $0x80, v3, vm0, $0xb8;
	[tilespmem:$0x18200] =	vst v63  }
0x95: {  	s3 =	rddreg [dreg:$0x11]  }
0x96: {  	[tilespmem:s3], [sflag:$0x2] =	stream.indirect_vreg.gather [hbm4b:s5+s2], $0x80, v3, vm0, $0xb8;
	[tilespmem:$0x18200] =	vst v63  }
0x97: {  	v3 =	vld [tilespmem:$0xB0];
	_ =	sdelay $0x4  }
0x98: {  	v55 =	vshll.u32 v3, $0x2  }
0x99: {  	v3 =	vand.u32 $0x7, v3;
	v4 =	vand.u32 $0xFFFFFFE0, v55  }
0x9a: {  	v3 =	vor.u32 v3, v4  }
0x9b: {  	v4 =	vperm.xlane v3, v0;
	_ =	sdelay $0x1  }
0x9c: {  	v4 =	vadd.s32 v1, v4;
	_ =	sdelay $0x1  }
0x9d: {  	v3 =	vperm.xlane v3, v2;
	_ =	sdelay $0x1  }
0x9e: {  	s0 =	rddreg [dreg:$0x12];
	v3 =	vadd.s32 v1, v3  }
0x9f: {  	[tilespmem:s0], [sflag:$0x2] =	stream.indirect_vreg.gather [hbm4b:s4+s2], $0x80, v4, vm0, $0xb8;
	[tilespmem:$0x18200] =	vst v63  }
0xa0: {  	s3 =	rddreg [dreg:$0x13]  }
0xa1: {  	[tilespmem:s3], [sflag:$0x2] =	stream.indirect_vreg.gather [hbm4b:s5+s2], $0x80, v4, vm0, $0xb8;
	[tilespmem:$0x18200] =	vst v63  }
0xa2: {  	s0 =	rddreg [dreg:$0x14]  }
0xa3: {  	[tilespmem:s0], [sflag:$0x2] =	stream.indirect_vreg.gather [hbm4b:s4+s2], $0x80, v3, vm0, $0xb8;
	[tilespmem:$0x18200] =	vst v63  }
0xa4: {  	s3 =	rddreg [dreg:$0x15]  }
0xa5: {  	[tilespmem:s3], [sflag:$0x2] =	stream.indirect_vreg.gather [hbm4b:s5+s2], $0x80, v3, vm0, $0xb8;
	[tilespmem:$0x18200] =	vst v63  }
0xa6: {  	v3 =	vld [tilespmem:$0x100];
	_ =	sdelay $0x4  }
0xa7: {  	v56 =	vshll.u32 v3, $0x2  }
0xa8: {  	v3 =	vand.u32 $0x7, v3;
	v4 =	vand.u32 $0xFFFFFFE0, v56  }
0xa9: {  	v3 =	vor.u32 v3, v4  }
0xaa: {  	v4 =	vperm.xlane v3, v0;
	_ =	sdelay $0x1  }
0xab: {  	v4 =	vadd.s32 v1, v4;
	_ =	sdelay $0x1  }
0xac: {  	v3 =	vperm.xlane v3, v2;
	_ =	sdelay $0x1  }
0xad: {  	v3 =	vadd.s32 v1, v3  }
0xae: {  	[tilespmem:s25], [sflag:$0x3] =	stream.indirect_vreg.gather [hbm4b:s4+s2], $0x80, v4, vm0, $0xb8;
	[tilespmem:$0x18200] =	vst v63  }
0xaf: {  	s0 =	rddreg [dreg:$0x16]  }
0xb0: {  	[tilespmem:s0], [sflag:$0x3] =	stream.indirect_vreg.gather [hbm4b:s5+s2], $0x80, v4, vm0, $0xb8;
	[tilespmem:$0x18200] =	vst v63  }
0xb1: {  	s3 =	rddreg [dreg:$0x17]  }
0xb2: {  	[tilespmem:s3], [sflag:$0x3] =	stream.indirect_vreg.gather [hbm4b:s4+s2], $0x80, v3, vm0, $0xb8;
	[tilespmem:$0x18200] =	vst v63  }
0xb3: {  	s0 =	rddreg [dreg:$0x18]  }
0xb4: {  	[tilespmem:s0], [sflag:$0x3] =	stream.indirect_vreg.gather [hbm4b:s5+s2], $0x80, v3, vm0, $0xb8;
	[tilespmem:$0x18200] =	vst v63  }
0xb5: {  	v3 =	vld [tilespmem:$0x110];
	_ =	sdelay $0x4  }
0xb6: {  	v57 =	vshll.u32 v3, $0x2  }
0xb7: {  	v3 =	vand.u32 $0x7, v3;
	v4 =	vand.u32 $0xFFFFFFE0, v57  }
0xb8: {  	v3 =	vor.u32 v3, v4  }
0xb9: {  	v4 =	vperm.xlane v3, v0;
	_ =	sdelay $0x1  }
0xba: {  	v4 =	vadd.s32 v1, v4;
	_ =	sdelay $0x1  }
0xbb: {  	v3 =	vperm.xlane v3, v2;
	_ =	sdelay $0x1  }
0xbc: {  	s0 =	rddreg [dreg:$0x19];
	v3 =	vadd.s32 v1, v3  }
0xbd: {  	[tilespmem:s0], [sflag:$0x3] =	stream.indirect_vreg.gather [hbm4b:s4+s2], $0x80, v4, vm0, $0xb8;
	[tilespmem:$0x18200] =	vst v63  }
0xbe: {  	s3 =	rddreg [dreg:$0x1a]  }
0xbf: {  	[tilespmem:s3], [sflag:$0x3] =	stream.indirect_vreg.gather [hbm4b:s5+s2], $0x80, v4, vm0, $0xb8;
	[tilespmem:$0x18200] =	vst v63  }
0xc0: {  	s0 =	rddreg [dreg:$0x1b]  }
0xc1: {  	[tilespmem:s0], [sflag:$0x3] =	stream.indirect_vreg.gather [hbm4b:s4+s2], $0x80, v3, vm0, $0xb8;
	[tilespmem:$0x18200] =	vst v63  }
0xc2: {  	s3 =	rddreg [dreg:$0x1c]  }
0xc3: {  	[tilespmem:s3], [sflag:$0x3] =	stream.indirect_vreg.gather [hbm4b:s5+s2], $0x80, v3, vm0, $0xb8;
	[tilespmem:$0x18200] =	vst v63  }
0xc4: {  	v3 =	vld [tilespmem:$0x120];
	_ =	sdelay $0x4  }
0xc5: {  	v58 =	vshll.u32 v3, $0x2  }
0xc6: {  	v3 =	vand.u32 $0x7, v3;
	v4 =	vand.u32 $0xFFFFFFE0, v58  }
0xc7: {  	v3 =	vor.u32 v3, v4  }
0xc8: {  	v4 =	vperm.xlane v3, v0;
	_ =	sdelay $0x1  }
0xc9: {  	v4 =	vadd.s32 v1, v4;
	_ =	sdelay $0x1  }
0xca: {  	v3 =	vperm.xlane v3, v2  }
0xcb: {  	s0 =	rddreg [dreg:$0x1d]  }
0xcc: {  	s3 =	rddreg [dreg:$0x1e];
	v3 =	vadd.s32 v1, v3  }
0xcd: {  	[tilespmem:s0], [sflag:$0x3] =	stream.indirect_vreg.gather [hbm4b:s4+s2], $0x80, v4, vm0, $0xb8;
	[tilespmem:$0x18200] =	vst v63  }
0xce: {  	s0 =	rddreg [dreg:$0x1f]  }
0xcf: {  	[tilespmem:s3], [sflag:$0x3] =	stream.indirect_vreg.gather [hbm4b:s5+s2], $0x80, v4, vm0, $0xb8;
	[tilespmem:$0x18200] =	vst v63  }
0xd0: {  	s3 =	sld [smem:$0x7F9]  }
0xd1: {  	[tilespmem:s0], [sflag:$0x3] =	stream.indirect_vreg.gather [hbm4b:s4+s2], $0x80, v3, vm0, $0xb8;
	[tilespmem:$0x18200] =	vst v63  }
0xd2: {  	_ = 	snop  }
0xd3: {  	[tilespmem:s3], [sflag:$0x3] =	stream.indirect_vreg.gather [hbm4b:s5+s2], $0x80, v3, vm0, $0xb8;
	[tilespmem:$0x18200] =	vst v63  }
0xd4: {  	v3 =	vld [tilespmem:$0x130];
	_ =	sdelay $0x4  }
0xd5: {  	v59 =	vshll.u32 v3, $0x2  }
0xd6: {  	v3 =	vand.u32 $0x7, v3;
	v4 =	vand.u32 $0xFFFFFFE0, v59  }
0xd7: {  	v3 =	vor.u32 v3, v4  }
0xd8: {  	v4 =	vperm.xlane v3, v0;
	_ =	sdelay $0x1  }
0xd9: {  	v4 =	vadd.s32 v1, v4;
	_ =	sdelay $0x1  }
0xda: {  	s0 =	sld [smem:$0x7FA];
	v3 =	vperm.xlane v3, v2;
	_ =	sdelay $0x1  }
0xdb: {  	s3 =	sld [smem:$0x7FB];
	v3 =	vadd.s32 v1, v3  }
0xdc: {  	[tilespmem:s0], [sflag:$0x3] =	stream.indirect_vreg.gather [hbm4b:s4+s2], $0x80, v4, vm0, $0xb8;
	[tilespmem:$0x18200] =	vst v63  }
0xdd: {  	s0 =	sld [smem:$0x7FC]  }
0xde: {  	[tilespmem:s3], [sflag:$0x3] =	stream.indirect_vreg.gather [hbm4b:s5+s2], $0x80, v4, vm0, $0xb8;
	[tilespmem:$0x18200] =	vst v63  }
0xdf: {  	s3 =	sld [smem:$0x7FD]  }
0xe0: {  	[tilespmem:s0], [sflag:$0x3] =	stream.indirect_vreg.gather [hbm4b:s4+s2], $0x80, v3, vm0, $0xb8;
	[tilespmem:$0x18200] =	vst v63  }
0xe1: {  	_ = 	snop  }
0xe2: {  	[tilespmem:s3], [sflag:$0x3] =	stream.indirect_vreg.gather [hbm4b:s5+s2], $0x80, v3, vm0, $0xb8;
	[tilespmem:$0x18200] =	vst v63  }
0xe3: {  	_ =	swait.ge [sflag:s26], $0x8000  }
0xe4: {  	s3 =	sld [smem:$0x7F8]  }
0xe5: {  	[sflag:s26] =	ssyncset.done $0x0  }
0xe6: {  	[sflag:s26] =	ssyncadd.s32 $0xFFFF8000  }
0xe7: {  	[hbm4b:s3+s2] =	stream.linear.scatter [tilespmem:s8], [sflag:$0x4], $0x8000, $0x38;
	[tilespmem:$0x18200] =	vst v63  }
0xe8: {  	_ =	swait.ge [sflag:s28], $0x8000  }
0xe9: {  	[sflag:s28] =	ssyncset.done $0x0  }
0xea: {  	[sflag:s28] =	ssyncadd.s32 $0xFFFF8000  }
0xeb: {  	v3 =	vld [tilespmem:$0x180];
	_ =	sdelay $0x4  }
0xec: {  	v60 =	vshll.u32 v3, $0x2  }
0xed: {  	v3 =	vand.u32 $0x7, v3;
	v4 =	vand.u32 $0xFFFFFFE0, v60  }
0xee: {  	v3 =	vor.u32 v3, v4  }
0xef: {  	v4 =	vperm.xlane v3, v0;
	_ =	sdelay $0x1  }
0xf0: {  	v4 =	vadd.s32 v1, v4;
	_ =	sdelay $0x1  }
0xf1: {  	v3 =	vperm.xlane v3, v2;
	_ =	sdelay $0x1  }
0xf2: {  	v3 =	vadd.s32 v1, v3  }
0xf3: {  	[tilespmem:s8], [sflag:$0x1] =	stream.indirect_vreg.gather [hbm4b:s4+s2], $0x80, v4, vm0, $0xb8;
	[tilespmem:$0x18200] =	vst v63  }
0xf4: {  	_ = 	snop  }
0xf5: {  	[tilespmem:s9], [sflag:$0x1] =	stream.indirect_vreg.gather [hbm4b:s5+s2], $0x80, v4, vm0, $0xb8;
	[tilespmem:$0x18200] =	vst v63  }
0xf6: {  	_ = 	snop  }
0xf7: {  	[tilespmem:s10], [sflag:$0x1] =	stream.indirect_vreg.gather [hbm4b:s4+s2], $0x80, v3, vm0, $0xb8;
	[tilespmem:$0x18200] =	vst v63  }
0xf8: {  	_ = 	snop  }
0xf9: {  	[tilespmem:s11], [sflag:$0x1] =	stream.indirect_vreg.gather [hbm4b:s5+s2], $0x80, v3, vm0, $0xb8;
	[tilespmem:$0x18200] =	vst v63  }
0xfa: {  	v3 =	vld [tilespmem:$0x190];
	_ =	sdelay $0x4  }
0xfb: {  	v61 =	vshll.u32 v3, $0x2  }
0xfc: {  	v3 =	vand.u32 $0x7, v3;
	v4 =	vand.u32 $0xFFFFFFE0, v61  }
0xfd: {  	v3 =	vor.u32 v3, v4  }
0xfe: {  	v4 =	vperm.xlane v3, v0;
	_ =	sdelay $0x1  }
0xff: {  	v4 =	vadd.s32 v1, v4;
	_ =	sdelay $0x1  }
0x100: {  	v3 =	vperm.xlane v3, v2;
	_ =	sdelay $0x1  }
0x101: {  	v3 =	vadd.s32 v1, v3  }
0x102: {  	[tilespmem:s12], [sflag:$0x1] =	stream.indirect_vreg.gather [hbm4b:s4+s2], $0x80, v4, vm0, $0xb8;
	[tilespmem:$0x18200] =	vst v63  }
0x103: {  	_ = 	snop  }
0x104: {  	[tilespmem:s13], [sflag:$0x1] =	stream.indirect_vreg.gather [hbm4b:s5+s2], $0x80, v4, vm0, $0xb8;
	[tilespmem:$0x18200] =	vst v63  }
0x105: {  	_ = 	snop  }
0x106: {  	[tilespmem:s14], [sflag:$0x1] =	stream.indirect_vreg.gather [hbm4b:s4+s2], $0x80, v3, vm0, $0xb8;
	[tilespmem:$0x18200] =	vst v63  }
0x107: {  	_ = 	snop  }
0x108: {  	[tilespmem:s15], [sflag:$0x1] =	stream.indirect_vreg.gather [hbm4b:s5+s2], $0x80, v3, vm0, $0xb8;
	[tilespmem:$0x18200] =	vst v63  }
0x109: {  	v3 =	vld [tilespmem:$0x1A0];
	_ =	sdelay $0x4  }
0x10a: {  	v62 =	vshll.u32 v3, $0x2  }
0x10b: {  	v3 =	vand.u32 $0x7, v3;
	v4 =	vand.u32 $0xFFFFFFE0, v62  }
0x10c: {  	v3 =	vor.u32 v3, v4  }
0x10d: {  	v4 =	vperm.xlane v3, v0;
	_ =	sdelay $0x1  }
0x10e: {  	v4 =	vadd.s32 v1, v4;
	_ =	sdelay $0x1  }
0x10f: {  	v3 =	vperm.xlane v3, v2;
	_ =	sdelay $0x1  }
0x110: {  	v3 =	vadd.s32 v1, v3  }
0x111: {  	[tilespmem:s16], [sflag:$0x1] =	stream.indirect_vreg.gather [hbm4b:s4+s2], $0x80, v4, vm0, $0xb8;
	[tilespmem:$0x18200] =	vst v63  }
0x112: {  	_ = 	snop  }
0x113: {  	[tilespmem:s17], [sflag:$0x1] =	stream.indirect_vreg.gather [hbm4b:s5+s2], $0x80, v4, vm0, $0xb8;
	[tilespmem:$0x18200] =	vst v63  }
0x114: {  	_ = 	snop  }
0x115: {  	[tilespmem:s18], [sflag:$0x1] =	stream.indirect_vreg.gather [hbm4b:s4+s2], $0x80, v3, vm0, $0xb8;
	[tilespmem:$0x18200] =	vst v63  }
0x116: {  	_ = 	snop  }
0x117: {  	[tilespmem:s19], [sflag:$0x1] =	stream.indirect_vreg.gather [hbm4b:s5+s2], $0x80, v3, vm0, $0xb8;
	[tilespmem:$0x18200] =	vst v63  }
0x118: {  	v3 =	vld [tilespmem:$0x1B0];
	_ =	sdelay $0x4  }
0x119: {  	v63 =	vshll.u32 v3, $0x2  }
0x11a: {  	v3 =	vand.u32 $0x7, v3;
	v4 =	vand.u32 $0xFFFFFFE0, v63  }
0x11b: {  	v3 =	vor.u32 v3, v4  }
0x11c: {  	v4 =	vperm.xlane v3, v0;
	_ =	sdelay $0x1  }
0x11d: {  	v4 =	vadd.s32 v1, v4;
	_ =	sdelay $0x1  }
0x11e: {  	v3 =	vperm.xlane v3, v2;
	_ =	sdelay $0x1  }
0x11f: {  	v3 =	vadd.s32 v1, v3  }
0x120: {  	[tilespmem:s20], [sflag:$0x1] =	stream.indirect_vreg.gather [hbm4b:s4+s2], $0x80, v4, vm0, $0xb8;
	[tilespmem:$0x18200] =	vst v63  }
0x121: {  	_ = 	snop  }
0x122: {  	[tilespmem:s21], [sflag:$0x1] =	stream.indirect_vreg.gather [hbm4b:s5+s2], $0x80, v4, vm0, $0xb8;
	[tilespmem:$0x18200] =	vst v63  }
0x123: {  	_ = 	snop  }
0x124: {  	[tilespmem:s22], [sflag:$0x1] =	stream.indirect_vreg.gather [hbm4b:s4+s2], $0x80, v3, vm0, $0xb8;
	[tilespmem:$0x18200] =	vst v63  }
0x125: {  	_ = 	snop  }
0x126: {  	[tilespmem:s23], [sflag:$0x1] =	stream.indirect_vreg.gather [hbm4b:s5+s2], $0x80, v3, vm0, $0xb8;
	[tilespmem:$0x18200] =	vst v63  }
0x127: {  	_ =	swait.ge [sflag:s29], $0x8000  }
0x128: {  	[sflag:s29] =	ssyncset.done $0x0  }
0x129: {  	s3 =	rddreg [dreg:$0x4];
	[sflag:s29] =	ssyncadd.s32 $0xFFFF8000  }
0x12a: {  	[hbm4b:s3+s2] =	stream.linear.scatter [tilespmem:s24], [sflag:$0x5], $0x8000, $0x38;
	[tilespmem:$0x18200] =	vst v63  }
0x12b: {  	_ =	swait.ge [sflag:s30], $0x8000  }
0x12c: {  	[sflag:s30] =	ssyncset.done $0x0  }
0x12d: {  	s3 =	rddreg [dreg:$0x5];
	[sflag:s30] =	ssyncadd.s32 $0xFFFF8000  }
0x12e: {  	[hbm4b:s3+s2] =	stream.linear.scatter [tilespmem:s25], [sflag:$0x6], $0x8000, $0x38;
	[tilespmem:$0x18200] =	vst v63  }
0x12f: {  	_ =	swait.ge [sflag:s26], $0x8000  }
0x130: {  	[sflag:s26] =	ssyncset.done $0x0  }
0x131: {  	s3 =	rddreg [dreg:$0x6];
	[sflag:s26] =	ssyncadd.s32 $0xFFFF8000  }
0x132: {  	[hbm4b:s3+s2] =	stream.linear.scatter [tilespmem:s8], [sflag:$0x4], $0x8000, $0x38;
	[tilespmem:$0x18200] =	vst v63  }
0x133: {  	_ =	swait.ge [sflag:s31], $0x8000  }
0x134: {  	[sflag:s31] =	ssyncset.done $0x0  }
0x135: {  	[sflag:s31] =	ssyncadd.s32 $0xFFFF8000  }
0x136: {  	p0 =	sne.s32 s6, $0x1;
	_ =	swait.ge [sflag:s1], $0x8000  }
.Ltmp0:
0x137: {  	[sflag:s1] =	ssyncset.done $0x0;
	(pc) =	sbr.rel @p0 .LBB2_1-.Ltmp0, $4  }
0x138: {  	[sflag:s1] =	ssyncadd.s32 $0xFFFF8000  }
0x139: {  	_ =	swait.ge [sflag:s28], $0x8000  }
0x13a: {  	[sflag:s28] =	ssyncset.done $0x0  }
0x13b: {  	s6 =	sadd.s32 $0xFFFFFFFF, s6;
	[sflag:s28] =	ssyncadd.s32 $0xFFFF8000  }
0x13c: {  	_ =	sfence.sel $0x180000  }
0x13d: {  	[bflag:$0x0] =	sbarrier.arrive $0xFFFF  }
0x13e: {  	_ =	strace $0x9000004A  }
0x13f: {  	s0 =	stileid.u32;
	[bflag:$0x2] =	sbarrier.arrive $0xFFFF  }
0x140: {  	p0 =	sne.s32 s0, $0x0;
	s0 =	rddreg [dreg:$0x2]  }
0x141: {  	s0 =	sadd.s32 @!p0 $0x100000, s0  }
0x142: {  	[sflag:s0] =	ssyncadd.tile.s32 @!p0 $0x1;
	_ =	shalt  }
.Lfunc_end2:
_tile_overlayer_lowered:
.L_overlay_start_2:
0x143: {  	(tag) =	ssettag $0x2  }
0x144: {  	s0 =	rddreg [dreg:$0x0];
	s2 =	stileid.u32  }
0x145: {  	s1 =	rddreg [dreg:$0x1];
	p0 =	sne.s32 s2, $0x0  }
0x146: {  	s3 =	rddreg [dreg:$0x2];
	[bflag:$0x3] =	sbarrier.arrive $0xFFFF;
	s2 =	simm.s32 @!p0 $0x1C07  }
0x147: {  	[timem:s3], [sflag:s2] =	dma.local @!p0 [hbm:s0], s1  }
0x148: {  	s0 =	simm.s32 @!p0 $0x7  }
0x149: {  	_ =	swait.ge @!p0 [sflag:s0], s1  }
0x14a: {  	s1 =	ssub.s32 @!p0 $0x0, s1;
	[sflag:s0] =	ssyncset.done @!p0 $0x0  }
0x14b: {  	[sflag:s0] =	ssyncadd.s32 @!p0 s1  }
0x14c: {  	[bflag:$0x3] =	sbarrier.arrive $0xFFFF  }
0x14d: {  	_ =	shalt  }

// kernel: kernel.7.cloned.1.call-start
scs
__scs_entry_jumppad:
0x0: {  	(pc) =	sbr.rel $0x88, $3  }
0x1: {  	(tag) =	ssettag $0x0;
	lr =	simm.s32 $0x1  }
0x2: {  	[smem:$0x3F9B] =	sst lr;
	_ =	strace $0xD0000000  }
0x3: {  	_ = 	snop  }
0x4: {  	_ = 	snop  }
0x5: {  	_ = 	snop  }
0x6: {  	_ = 	snop  }
0x7: {  	_ = 	snop  }
__scs_overlays_trampoline_lowered:
0x8: {  	[smem:$0x3FAA] =	sst s0  }
0x9: {  	[smem:$0x3FAB] =	sst s1  }
0xa: {  	[smem:$0x3FAC] =	sst s2  }
0xb: {  	[smem:$0x3FAD] =	sst s3  }
0xc: {  	[smem:$0x3FAE] =	sst s4  }
0xd: {  	[smem:$0x3FAF] =	sst s5  }
0xe: {  	[smem:$0x3FB0] =	sst s6  }
0xf: {  	[smem:$0x3FB1] =	sst s7  }
0x10: {  	[smem:$0x3FB2] =	sst s8  }
0x11: {  	[smem:$0x3FB3] =	sst s9;
	s0 =	simm.s32 @!p0 $0x0  }
0x12: {  	s1 =	sld [smem:$0x3F99];
	s0 =	simm.s32 @p0 $0x1  }
0x13: {  	[smem:$0x3FB4] =	sst s0;
	s0 =	simm.s32 @!p1 $0x0  }
0x14: {  	s2 =	sld [smem:$0x3F98];
	s0 =	simm.s32 @p1 $0x1  }
0x15: {  	[smem:$0x3FB5] =	sst s0;
	s0 =	simm.s32 @!p2 $0x0  }
0x16: {  	s3 =	sld [smem:$0x3FDB];
	s0 =	simm.s32 @p2 $0x1  }
0x17: {  	s4 =	simm.s32 $0x1BF5;
	[smem:$0x3FB7] =	sst s0  }
0x18: {  	s0 =	sld [smem:$0x3F9A];
	_ =	swait.ge [sflag:s4], $0x0  }
0x19: {  	s7 =	sld [smem:$0x3F9B]  }
0x1a: {  	s8 =	sadd.s32 $0xFFFFE003, lr  }
0x1b: {  	s9 =	sadd.s32 $0xFFFFFEF7, lr;
	s5 =	simm.s32 $0xFFFFFFFF;
	p2 =	slt.u32 s8, $0xFFFFF086  }
0x1c: {  	p1 =	slt.u32 s9, $0xF7A;
	s5 =	simm.s32 @!p2 $0x0  }
0x1d: {  	s5 =	simm.s32 @p1 $0x1;
	p0 =	seq.s32 s7, s2  }
0x1e: {  	s7 =	smul.u32 @!p0 $0xF7A, s2;
	p2 =	seq.s32 @!p0 s5, $0x0  }
0x1f: {  	s9 =	smul.u32 $0xF7A, s1;
	s8 =	simm.s32 @!p0 $0x1BF5;
	p2 =	por !p2, p0  }
0x20: {  	[sflag:s8] =	ssyncset.s32 @!p0 $0xFFFFF086;
	s6 =	sadd.s32 @!p0 s3, s7;
	s7 =	simm.s32 @!p0 $0x108  }
0x21: {  	s3 =	sadd.s32 s3, s9;
	s6 =	sadd.s32 @!p0 $0x88, s6;
	s7 =	simm.s32 @p2 $0x1082  }
0x22: {  	[simem:s7], [sflag:s8] =	dma.local @!p0 [hbm:s6], $0xF7A  }
0x23: {  	s9 =	sor.u32 $0xD0000000, s2;
	s6 =	simm.s32 $0x108;
	_ =	swait.ge @!p0 [sflag:s8], $0x0  }
0x24: {  	s3 =	sadd.s32 $0x88, s3;
	s6 =	simm.s32 @!p1 $0x1082;
	[sflag:s4] =	ssyncset.s32 $0xFFFFF086  }
0x25: {  	[simem:s6], [sflag:s4] =	dma.local [hbm:s3], $0xF7A  }
0x26: {  	[smem:$0x3F9B] =	sst s1;
	(tag) =	ssettag s2;
	_ =	strace s9  }
0x27: {  	s1 =	sld [smem:$0x3FAB]  }
0x28: {  	s2 =	sld [smem:$0x3FAC]  }
0x29: {  	s4 =	sld [smem:$0x3FAE]  }
0x2a: {  	p0 =	seq.s32 s5, $0x0;
	s5 =	sld [smem:$0x3FAF]  }
0x2b: {  	s6 =	sld [smem:$0x3FB0]  }
0x2c: {  	s7 =	sld [smem:$0x3FB1]  }
0x2d: {  	s3 =	simm.s32 $0x108;
	s8 =	sld [smem:$0x3FB2]  }
0x2e: {  	s3 =	simm.s32 @!p0 $0x1082;
	s9 =	sld [smem:$0x3FB3]  }
0x2f: {  	lr =	sadd.s32 s0, s3;
	s0 =	sld [smem:$0x3FAA]  }
0x30: {  	s3 =	sld [smem:$0x3FAD]  }
0x31: {  	[smem:$0x3FB6] =	sst s10  }
0x32: {  	s10 =	sld [smem:$0x3FB4];
	_ =	sdelay $0x3  }
0x33: {  	p0 =	seq.s32 s10, $0x1;
	s10 =	sld [smem:$0x3FB6];
	_ =	sdelay $0x3  }
0x34: {  	[smem:$0x3FB6] =	sst s10  }
0x35: {  	s10 =	sld [smem:$0x3FB5];
	_ =	sdelay $0x3  }
0x36: {  	p1 =	seq.s32 s10, $0x1;
	s10 =	sld [smem:$0x3FB6];
	_ =	sdelay $0x3  }
0x37: {  	[smem:$0x3FB6] =	sst s10  }
0x38: {  	s10 =	sld [smem:$0x3FB7]  }
0x39: {  	_ = 	snop;
	(pc) =	sbr.ind lr, $3  }
0x3a: {  	_ = 	snop  }
0x3b: {  	_ = 	snop  }
0x3c: {  	p2 =	seq.s32 s10, $0x1;
	s10 =	sld [smem:$0x3FB6]  }
0x3d: {  	_ =	shalt  }
0x3e: {  	_ =	shalt  }
0x3f: {  	_ =	shalt  }
0x40: {  	_ =	shalt  }
0x41: {  	_ =	shalt  }
0x42: {  	_ =	shalt  }
0x43: {  	_ =	shalt  }
0x44: {  	_ =	shalt  }
0x45: {  	_ =	shalt  }
0x46: {  	_ =	shalt  }
0x47: {  	_ =	shalt  }
0x48: {  	_ =	shalt  }
0x49: {  	_ =	shalt  }
0x4a: {  	_ =	shalt  }
0x4b: {  	_ =	shalt  }
0x4c: {  	_ =	shalt  }
0x4d: {  	_ =	shalt  }
0x4e: {  	_ =	shalt  }
0x4f: {  	_ =	shalt  }
0x50: {  	_ =	shalt  }
0x51: {  	_ =	shalt  }
0x52: {  	_ =	shalt  }
0x53: {  	_ =	shalt  }
0x54: {  	_ =	shalt  }
0x55: {  	_ =	shalt  }
0x56: {  	_ =	shalt  }
0x57: {  	_ =	shalt  }
0x58: {  	_ =	shalt  }
0x59: {  	_ =	shalt  }
0x5a: {  	_ =	shalt  }
0x5b: {  	_ =	shalt  }
0x5c: {  	_ =	shalt  }
0x5d: {  	_ =	shalt  }
0x5e: {  	_ =	shalt  }
0x5f: {  	_ =	shalt  }
0x60: {  	_ =	shalt  }
0x61: {  	_ =	shalt  }
0x62: {  	_ =	shalt  }
0x63: {  	_ =	shalt  }
0x64: {  	_ =	shalt  }
0x65: {  	_ =	shalt  }
0x66: {  	_ =	shalt  }
0x67: {  	_ =	shalt  }
0x68: {  	_ =	shalt  }
0x69: {  	_ =	shalt  }
0x6a: {  	_ =	shalt  }
0x6b: {  	_ =	shalt  }
0x6c: {  	_ =	shalt  }
0x6d: {  	_ =	shalt  }
0x6e: {  	_ =	shalt  }
0x6f: {  	_ =	shalt  }
0x70: {  	_ =	shalt  }
0x71: {  	_ =	shalt  }
0x72: {  	_ =	shalt  }
0x73: {  	_ =	shalt  }
0x74: {  	_ =	shalt  }
0x75: {  	_ =	shalt  }
0x76: {  	_ =	shalt  }
0x77: {  	_ =	shalt  }
0x78: {  	_ =	shalt  }
0x79: {  	_ =	shalt  }
0x7a: {  	_ =	shalt  }
0x7b: {  	_ =	shalt  }
0x7c: {  	_ =	shalt  }
0x7d: {  	_ =	shalt  }
0x7e: {  	_ =	shalt  }
0x7f: {  	_ =	shalt  }
0x80: {  	_ =	shalt  }
0x81: {  	_ =	shalt  }
0x82: {  	_ =	shalt  }
0x83: {  	_ =	shalt  }
0x84: {  	_ =	shalt  }
0x85: {  	_ =	shalt  }
0x86: {  	_ =	shalt  }
0x87: {  	_ =	shalt  }
.Lfunc_end0:
.L_simem_size_0:
called_computation_lowered:
.L_overlay_start_0:
0x88: {  	s2 =	sld [smem:$0x3FD9]  }
0x89: {  	s3 =	sld [smem:$0x3FFE];
	_ =	sdelay $0x1  }
0x8a: {  	s1 =	srdreg.scid  }
0x8b: {  	s0 =	sand.u32 $0x1, s1  }
0x8c: {  	s16 =	sshll.u32 s0, $0xA;
	s2 =	sadd.s32 s3, s2  }
0x8d: {  	s2 =	sadd.s32 s2, s16  }
0x8e: {  	[smem:$0x3FC2] =	sst s2  }
0x8f: {  	_ = 	snop  }
0x90: {  	(tm) =	ssettm $0x1  }
0x91: {  	s17 =	sld [smem:$0x3FFB];
	_ =	sdelay $0x3  }
0x92: {  	_ =	strace s17  }
0x93: {  	s2 =	sld [smem:$0x3FFC];
	_ =	sdelay $0x3  }
0x94: {  	_ =	strace s2  }
0x95: {  	s2 =	sld [smem:$0x3FFD];
	_ =	sdelay $0x3  }
0x96: {  	_ =	strace s2  }
0x97: {  	_ =	strace $0x8FFFFFFF  }
0x98: {  	s18 =	sld [smem:$0x3FDB];
	_ =	sdelay $0x1  }
0x99: {  	s19 =	simm.s32 $_scs_section_size  }
0x9a: {  	s4 =	simm.s32 $_size__tile_overlayer_lowered;
	s5 =	simm.s32 $_tile_overlayer_lowered  }
0x9b: {  	s22 =	simm.s32 $0x1BFF;
	s21 =	sshll.u32 s5, $0x1;
	s2 =	sadd.s32 s19, s18  }
0x9c: {  	s6 =	simm.s32 $0x0;
	s20 =	sshll.u32 s4, $0x1;
	s4 =	sadd.s32 s21, s2  }
0x9d: {  	[timem:s6], [sflag:s22] =	dma.local [hbm:s4], s20  }
0x9e: {  	_ =	swait.ge [sflag:s22], s20  }
0x9f: {  	s3 =	ssub.s32 $0x0, s20;
	[sflag:s22] =	ssyncset.done $0x0  }
0xa0: {  	[sflag:s22] =	ssyncadd.s32 s3;
	_ =	sdelay $0x1  }
0xa1: {  	s23 =	simm.s32 $0x1B8B  }
0xa2: {  	_ =	swait.ge [sflag:s23], $0x1  }
0xa3: {  	[sflag:s23] =	ssyncset.done $0x0  }
0xa4: {  	s25 =	simm.s32 $0x1B8E;
	s24 =	sld [smem:$0x3FFE];
	[sflag:s23] =	ssyncadd.s32 $0xFFFFFFFF  }
0xa5: {  	s26 =	simm.s32 $execute0_lowered;
	[smem:$0x3FD2] =	sst s25  }
0xa6: {  	s4 =	sshll.u32 s26, $0x1;
	_ =	strace $0x80000046;
	[dreg:$0x1] =	wrdreg $0xFFFFFFFF  }
0xa7: {  	s28 =	simm.s32 $_size_execute0_lowered;
	s2 =	sadd.s32 s2, s4;
	[dreg:$0x0] =	wrdreg $0x0  }
0xa8: {  	s4 =	sshll.u32 s28, $0x1;
	[dreg:$0x2] =	wrdreg s2  }
0xa9: {  	[dreg:$0x3] =	wrdreg s4  }
0xaa: {  	[dreg:$0x4] =	wrdreg $0xC0  }
0xab: {  	_ =	task [dreg:s6], $0x5FFFF  }
0xac: {  	[dreg:$0x1] =	wrdreg $0xFFFFFFFF  }
0xad: {  	[dreg:$0x0] =	wrdreg $0x60  }
0xae: {  	[dreg:$0x2] =	wrdreg s24  }
0xaf: {  	[dreg:$0x3] =	wrdreg $0x9  }
0xb0: {  	_ =	task.clear_ibuf [dreg:s6], $0x4FFFF;
	_ =	strace $0x90000046  }
0xb1: {  	s29 =	simm.s32 $0x9;
	_ =	strace $0x80000048  }
0xb2: {  	_ =	swait.ge [sflag:s29], $0x1  }
0xb3: {  	[sflag:s29] =	ssyncadd.s32 $0xFFFFFFFF  }
0xb4: {  	_ =	strace $0x90000048  }
0xb5: {  	_ =	sfence  }
0xb6: {  	s30 =	sld [smem:$0x0];
	_ =	sdelay $0x2  }
0xb7: {  	s31 =	sshll.u32 s1, $0xD;
	s1 =	sshrl.u32 s1, $0x2  }
0xb8: {  	s3 =	sand.u32 $0x4000, s31;
	s1 =	sadd.s32 s1, s30  }
0xb9: {  	s0 =	sor.u32 s3, s0;
	s1 =	sshll.u32 s1, $0x11  }
0xba: {  	s0 =	sor.u32 s1, s0  }
0xbb: {  	s0 =	sadd.s32 $0x8F2B, s0  }
0xbc: {  	[sflag:s0] =	ssyncadd.remote.s32 $0x1  }
0xbd: {  	_ =	sfence.sel $0xFFFF  }
0xbe: {  	[dreg:$0x0] =	wrdreg $0xFFFFFFFF;
	(pc) =	sbr.abs _section_cstart, $3  }
0xbf: {  	[dreg:$0x1] =	wrdreg $0xFFFFFFFF  }
0xc0: {  	_ =	task.clear_ibuf [dreg:s6], $0x2FFFF;
	_ =	strace $0x9FFFFFFF  }
0xc1: {  	(tm) =	ssettm $0x7FFFFFFF  }
tec
execute0_lowered:
.L_overlay_start_1:
0x0: {  	(tag) =	ssettag $0x1  }
0x1: {  	s0 =	rddreg [dreg:$0x0]  }
0x2: {  	s1 =	srdreg.scid;
	s3 =	stileid.u32  }
0x3: {  	s2 =	simm.s32 $0x0;
	s26 =	simm.s32 $0x200;
	s28 =	simm.s32 $0x9400  }
0x4: {  	s29 =	simm.s32 $0x9C00;
	s30 =	simm.s32 $0xA400;
	s31 =	simm.s32 $0xAC00  }
0x5: {  	s16 =	simm.s32 $0x5C00;
	s15 =	simm.s32 $0x7C00;
	s1 =	sand.u32 $0x1, s1  }
0x6: {  	s3 =	sshll.u32 s3, $0x7;
	[smem:$0x7FF] =	sst s2;
	s4 =	sshll.u32 s1, $0x6  }
0x7: {  	_ =	strace $0x80000047;
	s1 =	ssub.s32 $0x2, s1;
	[dreg:$0x4] =	wrdreg s26  }
0x8: {  	s26 =	simm.s32 $0xC400;
	s3 =	sor.u32 s4, s3;
	s6 =	sshrl.u32 s1, $0x1  }
0x9: {  	s4 =	sadd.s32 s3, s0;
	s3 =	sadd.s32 $0x92800, s0;
	s1 =	ssub.s32 s1, s6  }
0xa: {  	v2 =	vlaneseq.u32;
	s6 =	sadd.s32 $0xD3700, s0;
	s5 =	sadd.s32 $0x2000, s4;
	s25 =	sadd.s32 $0xD2E00, s4  }
0xb: {  	vm0 =	vmmov $0xffff;
	v1 =	vshrl.u32 v2, $0x3;
	s4 =	sadd.s32 $0xD3600, s0;
	s17 =	smax.u32 s1, $0x1;
	[dreg:$0x2] =	wrdreg s5  }
0xc: {  	v0 =	vand.u32 $0x7, v2;
	v2 =	vor.u32 $0x8, v2;
	v1 =	vmul.u32 $0x8, v1;
	[dreg:$0x3] =	wrdreg s25;
	s5 =	sadd.s32 $0x92900, s0;
	s25 =	simm.s32 $0xBC00  }
.LBB2_1:
0xd: {  	s0 =	rddreg [dreg:$0x2];
	s8 =	simm.s32 $0x7  }
0xe: {  	[tilespmem:s2], [sflag:$0x7] =	stream.linear.gather [hbm4b:s0+s2], $0x200, $0x38;
	[tilespmem:$0x18400] =	vst v63  }
0xf: {  	_ =	swait.ge [sflag:s8], $0x200  }
0x10: {  	s13 =	rddreg [dreg:$0x3];
	[sflag:s8] =	ssyncset.done $0x0  }
0x11: {  	s1 =	rddreg [dreg:$0x4];
	[sflag:s8] =	ssyncadd.s32 $0xFFFFFE00  }
0x12: {  	[tilespmem:s1], [sflag:$0x7] =	stream.linear.gather [hbm4b:s13+s2], $0x200, $0x38;
	[tilespmem:$0x18400] =	vst v63  }
0x13: {  	_ =	swait.ge [sflag:s8], $0x200  }
0x14: {  	[sflag:s8] =	ssyncset.done $0x0  }
0x15: {  	[sflag:s8] =	ssyncadd.s32 $0xFFFFFE00  }
0x16: {  	v3 =	vld [tilespmem:$0x0];
	_ =	sdelay $0x4  }
0x17: {  	v4 =	vshll.u32 v3, $0x2  }
0x18: {  	v3 =	vand.u32 $0x7, v3;
	v4 =	vand.u32 $0xFFFFFFE0, v4  }
0x19: {  	v3 =	vor.u32 v3, v4  }
0x1a: {  	v4 =	vperm.xlane v3, v0;
	_ =	sdelay $0x1  }
0x1b: {  	v4 =	vadd.s32 v1, v4;
	_ =	sdelay $0x1  }
0x1c: {  	v3 =	vperm.xlane v3, v2;
	_ =	sdelay $0x1  }
0x1d: {  	s14 =	simm.s32 $0x400;
	v3 =	vadd.s32 v1, v3  }
0x1e: {  	[tilespmem:s14], [sflag:$0x1] =	stream.indirect_vreg.gather [hbm4b:s3+s2], $0x80, v4, vm0, $0xb8;
	[tilespmem:$0x18400] =	vst v63  }
0x1f: {  	s18 =	simm.s32 $0xC00  }
0x20: {  	[tilespmem:s18], [sflag:$0x1] =	stream.indirect_vreg.gather [hbm4b:s5+s2], $0x80, v4, vm0, $0xb8;
	[tilespmem:$0x18400] =	vst v63  }
0x21: {  	s19 =	simm.s32 $0x1400  }
0x22: {  	[tilespmem:s19], [sflag:$0x1] =	stream.indirect_vreg.gather [hbm4b:s3+s2], $0x80, v3, vm0, $0xb8;
	[tilespmem:$0x18400] =	vst v63  }
0x23: {  	s20 =	simm.s32 $0x1C00  }
0x24: {  	[tilespmem:s20], [sflag:$0x1] =	stream.indirect_vreg.gather [hbm4b:s5+s2], $0x80, v3, vm0, $0xb8;
	[tilespmem:$0x18400] =	vst v63  }
0x25: {  	v3 =	vld [tilespmem:$0x10];
	_ =	sdelay $0x4  }
0x26: {  	v33 =	vshll.u32 v3, $0x2  }
0x27: {  	v3 =	vand.u32 $0x7, v3;
	v4 =	vand.u32 $0xFFFFFFE0, v33  }
0x28: {  	v3 =	vor.u32 v3, v4  }
0x29: {  	v4 =	vperm.xlane v3, v0;
	_ =	sdelay $0x1  }
0x2a: {  	v4 =	vadd.s32 v1, v4;
	_ =	sdelay $0x1  }
0x2b: {  	v3 =	vperm.xlane v3, v2;
	_ =	sdelay $0x1  }
0x2c: {  	s21 =	simm.s32 $0x2400;
	v3 =	vadd.s32 v1, v3  }
0x2d: {  	[tilespmem:s21], [sflag:$0x1] =	stream.indirect_vreg.gather [hbm4b:s3+s2], $0x80, v4, vm0, $0xb8;
	[tilespmem:$0x18400] =	vst v63  }
0x2e: {  	s22 =	simm.s32 $0x2C00  }
0x2f: {  	[tilespmem:s22], [sflag:$0x1] =	stream.indirect_vreg.gather [hbm4b:s5+s2], $0x80, v4, vm0, $0xb8;
	[tilespmem:$0x18400] =	vst v63  }
0x30: {  	s23 =	simm.s32 $0x3400  }
0x31: {  	[tilespmem:s23], [sflag:$0x1] =	stream.indirect_vreg.gather [hbm4b:s3+s2], $0x80, v3, vm0, $0xb8;
	[tilespmem:$0x18400] =	vst v63  }
0x32: {  	s24 =	simm.s32 $0x3C00  }
0x33: {  	[tilespmem:s24], [sflag:$0x1] =	stream.indirect_vreg.gather [hbm4b:s5+s2], $0x80, v3, vm0, $0xb8;
	[tilespmem:$0x18400] =	vst v63  }
0x34: {  	v3 =	vld [tilespmem:$0x20];
	_ =	sdelay $0x4  }
0x35: {  	v34 =	vshll.u32 v3, $0x2  }
0x36: {  	v3 =	vand.u32 $0x7, v3;
	v4 =	vand.u32 $0xFFFFFFE0, v34  }
0x37: {  	v3 =	vor.u32 v3, v4  }
0x38: {  	v4 =	vperm.xlane v3, v0;
	_ =	sdelay $0x1  }
0x39: {  	v4 =	vadd.s32 v1, v4;
	_ =	sdelay $0x1  }
0x3a: {  	v3 =	vperm.xlane v3, v2;
	_ =	sdelay $0x1  }
0x3b: {  	s1 =	simm.s32 $0x4400;
	v3 =	vadd.s32 v1, v3  }
0x3c: {  	[tilespmem:s1], [sflag:$0x1] =	stream.indirect_vreg.gather [hbm4b:s3+s2], $0x80, v4, vm0, $0xb8;
	[tilespmem:$0x18400] =	vst v63  }
0x3d: {  	s7 =	simm.s32 $0x4C00  }
0x3e: {  	[tilespmem:s7], [sflag:$0x1] =	stream.indirect_vreg.gather [hbm4b:s5+s2], $0x80, v4, vm0, $0xb8;
	[tilespmem:$0x18400] =	vst v63  }
0x3f: {  	s8 =	simm.s32 $0x5400  }
0x40: {  	[tilespmem:s8], [sflag:$0x1] =	stream.indirect_vreg.gather [hbm4b:s3+s2], $0x80, v3, vm0, $0xb8;
	[tilespmem:$0x18400] =	vst v63  }
0x41: {  	s9 =	simm.s32 $0x5C00  }
0x42: {  	[tilespmem:s9], [sflag:$0x1] =	stream.indirect_vreg.gather [hbm4b:s5+s2], $0x80, v3, vm0, $0xb8;
	[tilespmem:$0x18400] =	vst v63  }
0x43: {  	v3 =	vld [tilespmem:$0x30];
	_ =	sdelay $0x4  }
0x44: {  	v35 =	vshll.u32 v3, $0x2  }
0x45: {  	v3 =	vand.u32 $0x7, v3;
	v4 =	vand.u32 $0xFFFFFFE0, v35  }
0x46: {  	v3 =	vor.u32 v3, v4  }
0x47: {  	v4 =	vperm.xlane v3, v0;
	_ =	sdelay $0x1  }
0x48: {  	v4 =	vadd.s32 v1, v4;
	_ =	sdelay $0x1  }
0x49: {  	v3 =	vperm.xlane v3, v2;
	_ =	sdelay $0x1  }
0x4a: {  	s10 =	simm.s32 $0x6400;
	v3 =	vadd.s32 v1, v3  }
0x4b: {  	[tilespmem:s10], [sflag:$0x1] =	stream.indirect_vreg.gather [hbm4b:s3+s2], $0x80, v4, vm0, $0xb8;
	[tilespmem:$0x18400] =	vst v63  }
0x4c: {  	s11 =	simm.s32 $0x6C00  }
0x4d: {  	[tilespmem:s11], [sflag:$0x1] =	stream.indirect_vreg.gather [hbm4b:s5+s2], $0x80, v4, vm0, $0xb8;
	[tilespmem:$0x18400] =	vst v63  }
0x4e: {  	s12 =	simm.s32 $0x7400  }
0x4f: {  	[tilespmem:s12], [sflag:$0x1] =	stream.indirect_vreg.gather [hbm4b:s3+s2], $0x80, v3, vm0, $0xb8;
	[tilespmem:$0x18400] =	vst v63  }
0x50: {  	s13 =	simm.s32 $0x7C00  }
0x51: {  	[tilespmem:s13], [sflag:$0x1] =	stream.indirect_vreg.gather [hbm4b:s5+s2], $0x80, v3, vm0, $0xb8;
	[tilespmem:$0x18400] =	vst v63  }
0x52: {  	v3 =	vld [tilespmem:$0x80];
	_ =	sdelay $0x4  }
0x53: {  	v36 =	vshll.u32 v3, $0x2  }
0x54: {  	v3 =	vand.u32 $0x7, v3;
	v4 =	vand.u32 $0xFFFFFFE0, v36  }
0x55: {  	v3 =	vor.u32 v3, v4  }
0x56: {  	v4 =	vperm.xlane v3, v0;
	_ =	sdelay $0x1  }
0x57: {  	v4 =	vadd.s32 v1, v4;
	_ =	sdelay $0x1  }
0x58: {  	v3 =	vperm.xlane v3, v2;
	_ =	sdelay $0x1  }
0x59: {  	s14 =	simm.s32 $0x8400;
	v3 =	vadd.s32 v1, v3  }
0x5a: {  	[tilespmem:s14], [sflag:$0x2] =	stream.indirect_vreg.gather [hbm4b:s3+s2], $0x80, v4, vm0, $0xb8;
	[tilespmem:$0x18400] =	vst v63  }
0x5b: {  	s18 =	simm.s32 $0x8C00  }
0x5c: {  	[tilespmem:s18], [sflag:$0x2] =	stream.indirect_vreg.gather [hbm4b:s5+s2], $0x80, v4, vm0, $0xb8;
	[tilespmem:$0x18400] =	vst v63  }
0x5d: {  	_ = 	snop  }
0x5e: {  	[tilespmem:s28], [sflag:$0x2] =	stream.indirect_vreg.gather [hbm4b:s3+s2], $0x80, v3, vm0, $0xb8;
	[tilespmem:$0x18400] =	vst v63  }
0x5f: {  	_ = 	snop  }
0x60: {  	[tilespmem:s29], [sflag:$0x2] =	stream.indirect_vreg.gather [hbm4b:s5+s2], $0x80, v3, vm0, $0xb8;
	[tilespmem:$0x18400] =	vst v63  }
0x61: {  	v3 =	vld [tilespmem:$0x90];
	_ =	sdelay $0x4  }
0x62: {  	v37 =	vshll.u32 v3, $0x2  }
0x63: {  	v3 =	vand.u32 $0x7, v3;
	v4 =	vand.u32 $0xFFFFFFE0, v37  }
0x64: {  	v3 =	vor.u32 v3, v4  }
0x65: {  	v4 =	vperm.xlane v3, v0;
	_ =	sdelay $0x1  }
0x66: {  	v4 =	vadd.s32 v1, v4;
	_ =	sdelay $0x1  }
0x67: {  	v3 =	vperm.xlane v3, v2;
	_ =	sdelay $0x1  }
0x68: {  	v3 =	vadd.s32 v1, v3  }
0x69: {  	[tilespmem:s30], [sflag:$0x2] =	stream.indirect_vreg.gather [hbm4b:s3+s2], $0x80, v4, vm0, $0xb8;
	[tilespmem:$0x18400] =	vst v63  }
0x6a: {  	_ = 	snop  }
0x6b: {  	[tilespmem:s31], [sflag:$0x2] =	stream.indirect_vreg.gather [hbm4b:s5+s2], $0x80, v4, vm0, $0xb8;
	[tilespmem:$0x18400] =	vst v63  }
0x6c: {  	s19 =	simm.s32 $0xB400  }
0x6d: {  	[tilespmem:s19], [sflag:$0x2] =	stream.indirect_vreg.gather [hbm4b:s3+s2], $0x80, v3, vm0, $0xb8;
	[tilespmem:$0x18400] =	vst v63  }
0x6e: {  	_ = 	snop  }
0x6f: {  	[tilespmem:s25], [sflag:$0x2] =	stream.indirect_vreg.gather [hbm4b:s5+s2], $0x80, v3, vm0, $0xb8;
	[tilespmem:$0x18400] =	vst v63  }
0x70: {  	v3 =	vld [tilespmem:$0xA0];
	_ =	sdelay $0x4  }
0x71: {  	v38 =	vshll.u32 v3, $0x2  }
0x72: {  	v3 =	vand.u32 $0x7, v3;
	v4 =	vand.u32 $0xFFFFFFE0, v38  }
0x73: {  	v3 =	vor.u32 v3, v4  }
0x74: {  	v4 =	vperm.xlane v3, v0;
	_ =	sdelay $0x1  }
0x75: {  	v4 =	vadd.s32 v1, v4;
	_ =	sdelay $0x1  }
0x76: {  	v3 =	vperm.xlane v3, v2;
	_ =	sdelay $0x1  }
0x77: {  	v3 =	vadd.s32 v1, v3  }
0x78: {  	[tilespmem:s26], [sflag:$0x2] =	stream.indirect_vreg.gather [hbm4b:s3+s2], $0x80, v4, vm0, $0xb8;
	[tilespmem:$0x18400] =	vst v63  }
0x79: {  	s8 =	simm.s32 $0xCC00  }
0x7a: {  	[tilespmem:s8], [sflag:$0x2] =	stream.indirect_vreg.gather [hbm4b:s5+s2], $0x80, v4, vm0, $0xb8;
	[tilespmem:$0x18400] =	vst v63  }
0x7b: {  	s20 =	simm.s32 $0xD400  }
0x7c: {  	[tilespmem:s20], [sflag:$0x2] =	stream.indirect_vreg.gather [hbm4b:s3+s2], $0x80, v3, vm0, $0xb8;
	[tilespmem:$0x18400] =	vst v63  }
0x7d: {  	s21 =	simm.s32 $0xDC00  }
0x7e: {  	[tilespmem:s21], [sflag:$0x2] =	stream.indirect_vreg.gather [hbm4b:s5+s2], $0x80, v3, vm0, $0xb8;
	[tilespmem:$0x18400] =	vst v63  }
0x7f: {  	v3 =	vld [tilespmem:$0xB0];
	_ =	sdelay $0x4  }
0x80: {  	v39 =	vshll.u32 v3, $0x2  }
0x81: {  	v3 =	vand.u32 $0x7, v3;
	v4 =	vand.u32 $0xFFFFFFE0, v39  }
0x82: {  	v3 =	vor.u32 v3, v4  }
0x83: {  	v4 =	vperm.xlane v3, v0;
	_ =	sdelay $0x1  }
0x84: {  	v4 =	vadd.s32 v1, v4;
	_ =	sdelay $0x1  }
0x85: {  	v3 =	vperm.xlane v3, v2;
	_ =	sdelay $0x1  }
0x86: {  	s22 =	simm.s32 $0xE400;
	v3 =	vadd.s32 v1, v3  }
0x87: {  	[tilespmem:s22], [sflag:$0x2] =	stream.indirect_vreg.gather [hbm4b:s3+s2], $0x80, v4, vm0, $0xb8;
	[tilespmem:$0x18400] =	vst v63  }
0x88: {  	s23 =	simm.s32 $0xEC00  }
0x89: {  	[tilespmem:s23], [sflag:$0x2] =	stream.indirect_vreg.gather [hbm4b:s5+s2], $0x80, v4, vm0, $0xb8;
	[tilespmem:$0x18400] =	vst v63  }
0x8a: {  	s24 =	simm.s32 $0xF400  }
0x8b: {  	[tilespmem:s24], [sflag:$0x2] =	stream.indirect_vreg.gather [hbm4b:s3+s2], $0x80, v3, vm0, $0xb8;
	[tilespmem:$0x18400] =	vst v63  }
0x8c: {  	s1 =	simm.s32 $0xFC00  }
0x8d: {  	[tilespmem:s1], [sflag:$0x2] =	stream.indirect_vreg.gather [hbm4b:s5+s2], $0x80, v3, vm0, $0xb8;
	[tilespmem:$0x18400] =	vst v63  }
0x8e: {  	v3 =	vld [tilespmem:$0x100];
	_ =	sdelay $0x4  }
0x8f: {  	v40 =	vshll.u32 v3, $0x2  }
0x90: {  	v3 =	vand.u32 $0x7, v3;
	v4 =	vand.u32 $0xFFFFFFE0, v40  }
0x91: {  	v3 =	vor.u32 v3, v4  }
0x92: {  	v4 =	vperm.xlane v3, v0;
	_ =	sdelay $0x1  }
0x93: {  	v4 =	vadd.s32 v1, v4;
	_ =	sdelay $0x1  }
0x94: {  	v3 =	vperm.xlane v3, v2;
	_ =	sdelay $0x1  }
0x95: {  	s7 =	simm.s32 $0x10400;
	v3 =	vadd.s32 v1, v3  }
0x96: {  	[tilespmem:s7], [sflag:$0x3] =	stream.indirect_vreg.gather [hbm4b:s3+s2], $0x80, v4, vm0, $0xb8;
	[tilespmem:$0x18400] =	vst v63  }
0x97: {  	s9 =	simm.s32 $0x10C00  }
0x98: {  	[tilespmem:s9], [sflag:$0x3] =	stream.indirect_vreg.gather [hbm4b:s5+s2], $0x80, v4, vm0, $0xb8;
	[tilespmem:$0x18400] =	vst v63  }
0x99: {  	s10 =	simm.s32 $0x11400  }
0x9a: {  	[tilespmem:s10], [sflag:$0x3] =	stream.indirect_vreg.gather [hbm4b:s3+s2], $0x80, v3, vm0, $0xb8;
	[tilespmem:$0x18400] =	vst v63  }
0x9b: {  	s11 =	simm.s32 $0x11C00  }
0x9c: {  	[tilespmem:s11], [sflag:$0x3] =	stream.indirect_vreg.gather [hbm4b:s5+s2], $0x80, v3, vm0, $0xb8;
	[tilespmem:$0x18400] =	vst v63  }
0x9d: {  	v3 =	vld [tilespmem:$0x110];
	_ =	sdelay $0x4  }
0x9e: {  	v41 =	vshll.u32 v3, $0x2  }
0x9f: {  	v3 =	vand.u32 $0x7, v3;
	v4 =	vand.u32 $0xFFFFFFE0, v41  }
0xa0: {  	v3 =	vor.u32 v3, v4  }
0xa1: {  	v4 =	vperm.xlane v3, v0;
	_ =	sdelay $0x1  }
0xa2: {  	v4 =	vadd.s32 v1, v4;
	_ =	sdelay $0x1  }
0xa3: {  	v3 =	vperm.xlane v3, v2;
	_ =	sdelay $0x1  }
0xa4: {  	s12 =	simm.s32 $0x12400;
	v3 =	vadd.s32 v1, v3  }
0xa5: {  	[tilespmem:s12], [sflag:$0x3] =	stream.indirect_vreg.gather [hbm4b:s3+s2], $0x80, v4, vm0, $0xb8;
	[tilespmem:$0x18400] =	vst v63  }
0xa6: {  	s13 =	simm.s32 $0x12C00  }
0xa7: {  	[tilespmem:s13], [sflag:$0x3] =	stream.indirect_vreg.gather [hbm4b:s5+s2], $0x80, v4, vm0, $0xb8;
	[tilespmem:$0x18400] =	vst v63  }
0xa8: {  	s14 =	simm.s32 $0x13400  }
0xa9: {  	[tilespmem:s14], [sflag:$0x3] =	stream.indirect_vreg.gather [hbm4b:s3+s2], $0x80, v3, vm0, $0xb8;
	[tilespmem:$0x18400] =	vst v63  }
0xaa: {  	s18 =	simm.s32 $0x13C00  }
0xab: {  	[tilespmem:s18], [sflag:$0x3] =	stream.indirect_vreg.gather [hbm4b:s5+s2], $0x80, v3, vm0, $0xb8;
	[tilespmem:$0x18400] =	vst v63  }
0xac: {  	v3 =	vld [tilespmem:$0x120];
	_ =	sdelay $0x4  }
0xad: {  	v42 =	vshll.u32 v3, $0x2  }
0xae: {  	v3 =	vand.u32 $0x7, v3;
	v4 =	vand.u32 $0xFFFFFFE0, v42  }
0xaf: {  	v3 =	vor.u32 v3, v4  }
0xb0: {  	v4 =	vperm.xlane v3, v0;
	_ =	sdelay $0x1  }
0xb1: {  	v4 =	vadd.s32 v1, v4;
	_ =	sdelay $0x1  }
0xb2: {  	v3 =	vperm.xlane v3, v2;
	_ =	sdelay $0x1  }
0xb3: {  	s19 =	simm.s32 $0x14400;
	v3 =	vadd.s32 v1, v3  }
0xb4: {  	[tilespmem:s19], [sflag:$0x3] =	stream.indirect_vreg.gather [hbm4b:s3+s2], $0x80, v4, vm0, $0xb8;
	[tilespmem:$0x18400] =	vst v63  }
0xb5: {  	s20 =	simm.s32 $0x14C00  }
0xb6: {  	[tilespmem:s20], [sflag:$0x3] =	stream.indirect_vreg.gather [hbm4b:s5+s2], $0x80, v4, vm0, $0xb8;
	[tilespmem:$0x18400] =	vst v63  }
0xb7: {  	s21 =	simm.s32 $0x15400  }
0xb8: {  	[tilespmem:s21], [sflag:$0x3] =	stream.indirect_vreg.gather [hbm4b:s3+s2], $0x80, v3, vm0, $0xb8;
	[tilespmem:$0x18400] =	vst v63  }
0xb9: {  	s22 =	simm.s32 $0x15C00  }
0xba: {  	[tilespmem:s22], [sflag:$0x3] =	stream.indirect_vreg.gather [hbm4b:s5+s2], $0x80, v3, vm0, $0xb8;
	[tilespmem:$0x18400] =	vst v63  }
0xbb: {  	v3 =	vld [tilespmem:$0x130];
	_ =	sdelay $0x4  }
0xbc: {  	v43 =	vshll.u32 v3, $0x2  }
0xbd: {  	v3 =	vand.u32 $0x7, v3;
	v4 =	vand.u32 $0xFFFFFFE0, v43  }
0xbe: {  	v3 =	vor.u32 v3, v4  }
0xbf: {  	v4 =	vperm.xlane v3, v0;
	_ =	sdelay $0x1  }
0xc0: {  	v4 =	vadd.s32 v1, v4;
	_ =	sdelay $0x1  }
0xc1: {  	v3 =	vperm.xlane v3, v2;
	_ =	sdelay $0x1  }
0xc2: {  	s23 =	simm.s32 $0x16400;
	v3 =	vadd.s32 v1, v3  }
0xc3: {  	[tilespmem:s23], [sflag:$0x3] =	stream.indirect_vreg.gather [hbm4b:s3+s2], $0x80, v4, vm0, $0xb8;
	[tilespmem:$0x18400] =	vst v63  }
0xc4: {  	s24 =	simm.s32 $0x16C00  }
0xc5: {  	[tilespmem:s24], [sflag:$0x3] =	stream.indirect_vreg.gather [hbm4b:s5+s2], $0x80, v4, vm0, $0xb8;
	[tilespmem:$0x18400] =	vst v63  }
0xc6: {  	s1 =	simm.s32 $0x17400  }
0xc7: {  	[tilespmem:s1], [sflag:$0x3] =	stream.indirect_vreg.gather [hbm4b:s3+s2], $0x80, v3, vm0, $0xb8;
	[tilespmem:$0x18400] =	vst v63  }
0xc8: {  	s0 =	simm.s32 $0x1;
	s7 =	simm.s32 $0x17C00  }
0xc9: {  	[tilespmem:s7], [sflag:$0x3] =	stream.indirect_vreg.gather [hbm4b:s5+s2], $0x80, v3, vm0, $0xb8;
	[tilespmem:$0x18400] =	vst v63  }
0xca: {  	_ =	swait.ge [sflag:s0], $0x8000  }
0xcb: {  	[sflag:s0] =	ssyncset.done $0x0  }
0xcc: {  	[sflag:s0] =	ssyncadd.s32 $0xFFFF8000  }
0xcd: {  	v3 =	vld [tilespmem:$0x200];
	_ =	sdelay $0x4  }
0xce: {  	v44 =	vshll.u32 v3, $0x2  }
0xcf: {  	v3 =	vand.u32 $0x7, v3;
	v4 =	vand.u32 $0xFFFFFFE0, v44  }
0xd0: {  	v3 =	vor.u32 v3, v4  }
0xd1: {  	v4 =	vperm.xlane v3, v0;
	_ =	sdelay $0x1  }
0xd2: {  	v4 =	vadd.s32 v1, v4;
	_ =	sdelay $0x1  }
0xd3: {  	v3 =	vperm.xlane v3, v2;
	_ =	sdelay $0x1  }
0xd4: {  	s7 =	simm.s32 $0x400;
	v3 =	vadd.s32 v1, v3  }
0xd5: {  	[hbm4b:s4+s2] =	stream.indirect_vreg.scatter [tilespmem:s7], [sflag:$0x4], $0x80, v4, vm0, $0xb8;
	[tilespmem:$0x18400] =	vst v63  }
0xd6: {  	s18 =	simm.s32 $0xC00  }
0xd7: {  	[hbm4b:s6+s2] =	stream.indirect_vreg.scatter [tilespmem:s18], [sflag:$0x4], $0x80, v4, vm0, $0xb8;
	[tilespmem:$0x18400] =	vst v63  }
0xd8: {  	s19 =	simm.s32 $0x1400  }
0xd9: {  	[hbm4b:s4+s2] =	stream.indirect_vreg.scatter [tilespmem:s19], [sflag:$0x4], $0x80, v3, vm0, $0xb8;
	[tilespmem:$0x18400] =	vst v63  }
0xda: {  	s13 =	simm.s32 $0x1C00  }
0xdb: {  	[hbm4b:s6+s2] =	stream.indirect_vreg.scatter [tilespmem:s13], [sflag:$0x4], $0x80, v3, vm0, $0xb8;
	[tilespmem:$0x18400] =	vst v63  }
0xdc: {  	v3 =	vld [tilespmem:$0x210];
	_ =	sdelay $0x4  }
0xdd: {  	v45 =	vshll.u32 v3, $0x2  }
0xde: {  	v3 =	vand.u32 $0x7, v3;
	v4 =	vand.u32 $0xFFFFFFE0, v45  }
0xdf: {  	v3 =	vor.u32 v3, v4  }
0xe0: {  	v4 =	vperm.xlane v3, v0;
	_ =	sdelay $0x1  }
0xe1: {  	v4 =	vadd.s32 v1, v4;
	_ =	sdelay $0x1  }
0xe2: {  	v3 =	vperm.xlane v3, v2;
	_ =	sdelay $0x1  }
0xe3: {  	s20 =	simm.s32 $0x2400;
	v3 =	vadd.s32 v1, v3  }
0xe4: {  	[hbm4b:s4+s2] =	stream.indirect_vreg.scatter [tilespmem:s20], [sflag:$0x4], $0x80, v4, vm0, $0xb8;
	[tilespmem:$0x18400] =	vst v63  }
0xe5: {  	s21 =	simm.s32 $0x2C00  }
0xe6: {  	[hbm4b:s6+s2] =	stream.indirect_vreg.scatter [tilespmem:s21], [sflag:$0x4], $0x80, v4, vm0, $0xb8;
	[tilespmem:$0x18400] =	vst v63  }
0xe7: {  	s22 =	simm.s32 $0x3400  }
0xe8: {  	[hbm4b:s4+s2] =	stream.indirect_vreg.scatter [tilespmem:s22], [sflag:$0x4], $0x80, v3, vm0, $0xb8;
	[tilespmem:$0x18400] =	vst v63  }
0xe9: {  	s14 =	simm.s32 $0x3C00  }
0xea: {  	[hbm4b:s6+s2] =	stream.indirect_vreg.scatter [tilespmem:s14], [sflag:$0x4], $0x80, v3, vm0, $0xb8;
	[tilespmem:$0x18400] =	vst v63  }
0xeb: {  	v3 =	vld [tilespmem:$0x220];
	_ =	sdelay $0x4  }
0xec: {  	v46 =	vshll.u32 v3, $0x2  }
0xed: {  	v3 =	vand.u32 $0x7, v3;
	v4 =	vand.u32 $0xFFFFFFE0, v46  }
0xee: {  	v3 =	vor.u32 v3, v4  }
0xef: {  	v4 =	vperm.xlane v3, v0;
	_ =	sdelay $0x1  }
0xf0: {  	v4 =	vadd.s32 v1, v4;
	_ =	sdelay $0x1  }
0xf1: {  	v3 =	vperm.xlane v3, v2;
	_ =	sdelay $0x1  }
0xf2: {  	s23 =	simm.s32 $0x4400;
	v3 =	vadd.s32 v1, v3  }
0xf3: {  	[hbm4b:s4+s2] =	stream.indirect_vreg.scatter [tilespmem:s23], [sflag:$0x4], $0x80, v4, vm0, $0xb8;
	[tilespmem:$0x18400] =	vst v63  }
0xf4: {  	s24 =	simm.s32 $0x4C00  }
0xf5: {  	[hbm4b:s6+s2] =	stream.indirect_vreg.scatter [tilespmem:s24], [sflag:$0x4], $0x80, v4, vm0, $0xb8;
	[tilespmem:$0x18400] =	vst v63  }
0xf6: {  	s9 =	simm.s32 $0x5400  }
0xf7: {  	[hbm4b:s4+s2] =	stream.indirect_vreg.scatter [tilespmem:s9], [sflag:$0x4], $0x80, v3, vm0, $0xb8;
	[tilespmem:$0x18400] =	vst v63  }
0xf8: {  	_ = 	snop  }
0xf9: {  	[hbm4b:s6+s2] =	stream.indirect_vreg.scatter [tilespmem:s16], [sflag:$0x4], $0x80, v3, vm0, $0xb8;
	[tilespmem:$0x18400] =	vst v63  }
0xfa: {  	v3 =	vld [tilespmem:$0x230];
	_ =	sdelay $0x4  }
0xfb: {  	v47 =	vshll.u32 v3, $0x2  }
0xfc: {  	v3 =	vand.u32 $0x7, v3;
	v4 =	vand.u32 $0xFFFFFFE0, v47  }
0xfd: {  	v3 =	vor.u32 v3, v4  }
0xfe: {  	v4 =	vperm.xlane v3, v0;
	_ =	sdelay $0x1  }
0xff: {  	v4 =	vadd.s32 v1, v4;
	_ =	sdelay $0x1  }
0x100: {  	v3 =	vperm.xlane v3, v2;
	_ =	sdelay $0x1  }
0x101: {  	s10 =	simm.s32 $0x6400;
	v3 =	vadd.s32 v1, v3  }
0x102: {  	[hbm4b:s4+s2] =	stream.indirect_vreg.scatter [tilespmem:s10], [sflag:$0x4], $0x80, v4, vm0, $0xb8;
	[tilespmem:$0x18400] =	vst v63  }
0x103: {  	s11 =	simm.s32 $0x6C00  }
0x104: {  	[hbm4b:s6+s2] =	stream.indirect_vreg.scatter [tilespmem:s11], [sflag:$0x4], $0x80, v4, vm0, $0xb8;
	[tilespmem:$0x18400] =	vst v63  }
0x105: {  	s12 =	simm.s32 $0x7400  }
0x106: {  	[hbm4b:s4+s2] =	stream.indirect_vreg.scatter [tilespmem:s12], [sflag:$0x4], $0x80, v3, vm0, $0xb8;
	[tilespmem:$0x18400] =	vst v63  }
0x107: {  	s1 =	simm.s32 $0x4  }
0x108: {  	[hbm4b:s6+s2] =	stream.indirect_vreg.scatter [tilespmem:s15], [sflag:$0x4], $0x80, v3, vm0, $0xb8;
	[tilespmem:$0x18400] =	vst v63  }
0x109: {  	_ =	swait.ge [sflag:s1], $0x8000  }
0x10a: {  	[sflag:s1] =	ssyncset.done $0x0  }
0x10b: {  	[sflag:s1] =	ssyncadd.s32 $0xFFFF8000  }
0x10c: {  	v3 =	vld [tilespmem:$0x180];
	_ =	sdelay $0x4  }
0x10d: {  	v48 =	vshll.u32 v3, $0x2  }
0x10e: {  	v3 =	vand.u32 $0x7, v3;
	v4 =	vand.u32 $0xFFFFFFE0, v48  }
0x10f: {  	v3 =	vor.u32 v3, v4  }
0x110: {  	v4 =	vperm.xlane v3, v0;
	_ =	sdelay $0x1  }
0x111: {  	v4 =	vadd.s32 v1, v4;
	_ =	sdelay $0x1  }
0x112: {  	v3 =	vperm.xlane v3, v2;
	_ =	sdelay $0x1  }
0x113: {  	v3 =	vadd.s32 v1, v3  }
0x114: {  	[tilespmem:s7], [sflag:$0x1] =	stream.indirect_vreg.gather [hbm4b:s3+s2], $0x80, v4, vm0, $0xb8;
	[tilespmem:$0x18400] =	vst v63  }
0x115: {  	_ = 	snop  }
0x116: {  	[tilespmem:s18], [sflag:$0x1] =	stream.indirect_vreg.gather [hbm4b:s5+s2], $0x80, v4, vm0, $0xb8;
	[tilespmem:$0x18400] =	vst v63  }
0x117: {  	_ = 	snop  }
0x118: {  	[tilespmem:s19], [sflag:$0x1] =	stream.indirect_vreg.gather [hbm4b:s3+s2], $0x80, v3, vm0, $0xb8;
	[tilespmem:$0x18400] =	vst v63  }
0x119: {  	_ = 	snop  }
0x11a: {  	[tilespmem:s13], [sflag:$0x1] =	stream.indirect_vreg.gather [hbm4b:s5+s2], $0x80, v3, vm0, $0xb8;
	[tilespmem:$0x18400] =	vst v63  }
0x11b: {  	v3 =	vld [tilespmem:$0x190];
	_ =	sdelay $0x4  }
0x11c: {  	v49 =	vshll.u32 v3, $0x2  }
0x11d: {  	v3 =	vand.u32 $0x7, v3;
	v4 =	vand.u32 $0xFFFFFFE0, v49  }
0x11e: {  	v3 =	vor.u32 v3, v4  }
0x11f: {  	v4 =	vperm.xlane v3, v0;
	_ =	sdelay $0x1  }
0x120: {  	v4 =	vadd.s32 v1, v4;
	_ =	sdelay $0x1  }
0x121: {  	v3 =	vperm.xlane v3, v2;
	_ =	sdelay $0x1  }
0x122: {  	v3 =	vadd.s32 v1, v3  }
0x123: {  	[tilespmem:s20], [sflag:$0x1] =	stream.indirect_vreg.gather [hbm4b:s3+s2], $0x80, v4, vm0, $0xb8;
	[tilespmem:$0x18400] =	vst v63  }
0x124: {  	_ = 	snop  }
0x125: {  	[tilespmem:s21], [sflag:$0x1] =	stream.indirect_vreg.gather [hbm4b:s5+s2], $0x80, v4, vm0, $0xb8;
	[tilespmem:$0x18400] =	vst v63  }
0x126: {  	_ = 	snop  }
0x127: {  	[tilespmem:s22], [sflag:$0x1] =	stream.indirect_vreg.gather [hbm4b:s3+s2], $0x80, v3, vm0, $0xb8;
	[tilespmem:$0x18400] =	vst v63  }
0x128: {  	_ = 	snop  }
0x129: {  	[tilespmem:s14], [sflag:$0x1] =	stream.indirect_vreg.gather [hbm4b:s5+s2], $0x80, v3, vm0, $0xb8;
	[tilespmem:$0x18400] =	vst v63  }
0x12a: {  	v3 =	vld [tilespmem:$0x1A0];
	_ =	sdelay $0x4  }
0x12b: {  	v50 =	vshll.u32 v3, $0x2  }
0x12c: {  	v3 =	vand.u32 $0x7, v3;
	v4 =	vand.u32 $0xFFFFFFE0, v50  }
0x12d: {  	v3 =	vor.u32 v3, v4  }
0x12e: {  	v4 =	vperm.xlane v3, v0;
	_ =	sdelay $0x1  }
0x12f: {  	v4 =	vadd.s32 v1, v4;
	_ =	sdelay $0x1  }
0x130: {  	v3 =	vperm.xlane v3, v2;
	_ =	sdelay $0x1  }
0x131: {  	v3 =	vadd.s32 v1, v3  }
0x132: {  	[tilespmem:s23], [sflag:$0x1] =	stream.indirect_vreg.gather [hbm4b:s3+s2], $0x80, v4, vm0, $0xb8;
	[tilespmem:$0x18400] =	vst v63  }
0x133: {  	_ = 	snop  }
0x134: {  	[tilespmem:s24], [sflag:$0x1] =	stream.indirect_vreg.gather [hbm4b:s5+s2], $0x80, v4, vm0, $0xb8;
	[tilespmem:$0x18400] =	vst v63  }
0x135: {  	_ = 	snop  }
0x136: {  	[tilespmem:s9], [sflag:$0x1] =	stream.indirect_vreg.gather [hbm4b:s3+s2], $0x80, v3, vm0, $0xb8;
	[tilespmem:$0x18400] =	vst v63  }
0x137: {  	_ = 	snop  }
0x138: {  	[tilespmem:s16], [sflag:$0x1] =	stream.indirect_vreg.gather [hbm4b:s5+s2], $0x80, v3, vm0, $0xb8;
	[tilespmem:$0x18400] =	vst v63  }
0x139: {  	v3 =	vld [tilespmem:$0x1B0];
	_ =	sdelay $0x4  }
0x13a: {  	v51 =	vshll.u32 v3, $0x2  }
0x13b: {  	v3 =	vand.u32 $0x7, v3;
	v4 =	vand.u32 $0xFFFFFFE0, v51  }
0x13c: {  	v3 =	vor.u32 v3, v4  }
0x13d: {  	v4 =	vperm.xlane v3, v0;
	_ =	sdelay $0x1  }
0x13e: {  	v4 =	vadd.s32 v1, v4;
	_ =	sdelay $0x1  }
0x13f: {  	v3 =	vperm.xlane v3, v2;
	_ =	sdelay $0x1  }
0x140: {  	v3 =	vadd.s32 v1, v3  }
0x141: {  	[tilespmem:s10], [sflag:$0x1] =	stream.indirect_vreg.gather [hbm4b:s3+s2], $0x80, v4, vm0, $0xb8;
	[tilespmem:$0x18400] =	vst v63  }
0x142: {  	_ = 	snop  }
0x143: {  	[tilespmem:s11], [sflag:$0x1] =	stream.indirect_vreg.gather [hbm4b:s5+s2], $0x80, v4, vm0, $0xb8;
	[tilespmem:$0x18400] =	vst v63  }
0x144: {  	_ = 	snop  }
0x145: {  	[tilespmem:s12], [sflag:$0x1] =	stream.indirect_vreg.gather [hbm4b:s3+s2], $0x80, v3, vm0, $0xb8;
	[tilespmem:$0x18400] =	vst v63  }
0x146: {  	s7 =	simm.s32 $0x2  }
0x147: {  	[tilespmem:s15], [sflag:$0x1] =	stream.indirect_vreg.gather [hbm4b:s5+s2], $0x80, v3, vm0, $0xb8;
	[tilespmem:$0x18400] =	vst v63  }
0x148: {  	_ =	swait.ge [sflag:s7], $0x8000  }
0x149: {  	[sflag:s7] =	ssyncset.done $0x0  }
0x14a: {  	[sflag:s7] =	ssyncadd.s32 $0xFFFF8000  }
0x14b: {  	v3 =	vld [tilespmem:$0x280];
	_ =	sdelay $0x4  }
0x14c: {  	v52 =	vshll.u32 v3, $0x2  }
0x14d: {  	v3 =	vand.u32 $0x7, v3;
	v4 =	vand.u32 $0xFFFFFFE0, v52  }
0x14e: {  	v3 =	vor.u32 v3, v4  }
0x14f: {  	v4 =	vperm.xlane v3, v0;
	_ =	sdelay $0x1  }
0x150: {  	v4 =	vadd.s32 v1, v4;
	_ =	sdelay $0x1  }
0x151: {  	v3 =	vperm.xlane v3, v2;
	_ =	sdelay $0x1  }
0x152: {  	s7 =	simm.s32 $0x8400;
	v3 =	vadd.s32 v1, v3  }
0x153: {  	[hbm4b:s4+s2] =	stream.indirect_vreg.scatter [tilespmem:s7], [sflag:$0x5], $0x80, v4, vm0, $0xb8;
	[tilespmem:$0x18400] =	vst v63  }
0x154: {  	s7 =	simm.s32 $0x8C00  }
0x155: {  	[hbm4b:s6+s2] =	stream.indirect_vreg.scatter [tilespmem:s7], [sflag:$0x5], $0x80, v4, vm0, $0xb8;
	[tilespmem:$0x18400] =	vst v63  }
0x156: {  	_ = 	snop  }
0x157: {  	[hbm4b:s4+s2] =	stream.indirect_vreg.scatter [tilespmem:s28], [sflag:$0x5], $0x80, v3, vm0, $0xb8;
	[tilespmem:$0x18400] =	vst v63  }
0x158: {  	_ = 	snop  }
0x159: {  	[hbm4b:s6+s2] =	stream.indirect_vreg.scatter [tilespmem:s29], [sflag:$0x5], $0x80, v3, vm0, $0xb8;
	[tilespmem:$0x18400] =	vst v63  }
0x15a: {  	v3 =	vld [tilespmem:$0x290];
	_ =	sdelay $0x4  }
0x15b: {  	v53 =	vshll.u32 v3, $0x2  }
0x15c: {  	v3 =	vand.u32 $0x7, v3;
	v4 =	vand.u32 $0xFFFFFFE0, v53  }
0x15d: {  	v3 =	vor.u32 v3, v4  }
0x15e: {  	v4 =	vperm.xlane v3, v0;
	_ =	sdelay $0x1  }
0x15f: {  	v4 =	vadd.s32 v1, v4;
	_ =	sdelay $0x1  }
0x160: {  	v3 =	vperm.xlane v3, v2;
	_ =	sdelay $0x1  }
0x161: {  	v3 =	vadd.s32 v1, v3  }
0x162: {  	[hbm4b:s4+s2] =	stream.indirect_vreg.scatter [tilespmem:s30], [sflag:$0x5], $0x80, v4, vm0, $0xb8;
	[tilespmem:$0x18400] =	vst v63  }
0x163: {  	_ = 	snop  }
0x164: {  	[hbm4b:s6+s2] =	stream.indirect_vreg.scatter [tilespmem:s31], [sflag:$0x5], $0x80, v4, vm0, $0xb8;
	[tilespmem:$0x18400] =	vst v63  }
0x165: {  	s7 =	simm.s32 $0xB400  }
0x166: {  	[hbm4b:s4+s2] =	stream.indirect_vreg.scatter [tilespmem:s7], [sflag:$0x5], $0x80, v3, vm0, $0xb8;
	[tilespmem:$0x18400] =	vst v63  }
0x167: {  	_ = 	snop  }
0x168: {  	[hbm4b:s6+s2] =	stream.indirect_vreg.scatter [tilespmem:s25], [sflag:$0x5], $0x80, v3, vm0, $0xb8;
	[tilespmem:$0x18400] =	vst v63  }
0x169: {  	v3 =	vld [tilespmem:$0x2A0];
	_ =	sdelay $0x4  }
0x16a: {  	v54 =	vshll.u32 v3, $0x2  }
0x16b: {  	v3 =	vand.u32 $0x7, v3;
	v4 =	vand.u32 $0xFFFFFFE0, v54  }
0x16c: {  	v3 =	vor.u32 v3, v4  }
0x16d: {  	v4 =	vperm.xlane v3, v0;
	_ =	sdelay $0x1  }
0x16e: {  	v4 =	vadd.s32 v1, v4;
	_ =	sdelay $0x1  }
0x16f: {  	v3 =	vperm.xlane v3, v2;
	_ =	sdelay $0x1  }
0x170: {  	v3 =	vadd.s32 v1, v3  }
0x171: {  	[hbm4b:s4+s2] =	stream.indirect_vreg.scatter [tilespmem:s26], [sflag:$0x5], $0x80, v4, vm0, $0xb8;
	[tilespmem:$0x18400] =	vst v63  }
0x172: {  	_ = 	snop  }
0x173: {  	[hbm4b:s6+s2] =	stream.indirect_vreg.scatter [tilespmem:s8], [sflag:$0x5], $0x80, v4, vm0, $0xb8;
	[tilespmem:$0x18400] =	vst v63  }
0x174: {  	s8 =	simm.s32 $0xD400  }
0x175: {  	[hbm4b:s4+s2] =	stream.indirect_vreg.scatter [tilespmem:s8], [sflag:$0x5], $0x80, v3, vm0, $0xb8;
	[tilespmem:$0x18400] =	vst v63  }
0x176: {  	s8 =	simm.s32 $0xDC00  }
0x177: {  	[hbm4b:s6+s2] =	stream.indirect_vreg.scatter [tilespmem:s8], [sflag:$0x5], $0x80, v3, vm0, $0xb8;
	[tilespmem:$0x18400] =	vst v63  }
0x178: {  	v3 =	vld [tilespmem:$0x2B0];
	_ =	sdelay $0x4  }
0x179: {  	v55 =	vshll.u32 v3, $0x2  }
0x17a: {  	v3 =	vand.u32 $0x7, v3;
	v4 =	vand.u32 $0xFFFFFFE0, v55  }
0x17b: {  	v3 =	vor.u32 v3, v4  }
0x17c: {  	v4 =	vperm.xlane v3, v0;
	_ =	sdelay $0x1  }
0x17d: {  	v4 =	vadd.s32 v1, v4;
	_ =	sdelay $0x1  }
0x17e: {  	v3 =	vperm.xlane v3, v2;
	_ =	sdelay $0x1  }
0x17f: {  	s8 =	simm.s32 $0xE400;
	v3 =	vadd.s32 v1, v3  }
0x180: {  	[hbm4b:s4+s2] =	stream.indirect_vreg.scatter [tilespmem:s8], [sflag:$0x5], $0x80, v4, vm0, $0xb8;
	[tilespmem:$0x18400] =	vst v63  }
0x181: {  	s8 =	simm.s32 $0xEC00  }
0x182: {  	[hbm4b:s6+s2] =	stream.indirect_vreg.scatter [tilespmem:s8], [sflag:$0x5], $0x80, v4, vm0, $0xb8;
	[tilespmem:$0x18400] =	vst v63  }
0x183: {  	s8 =	simm.s32 $0xF400  }
0x184: {  	[hbm4b:s4+s2] =	stream.indirect_vreg.scatter [tilespmem:s8], [sflag:$0x5], $0x80, v3, vm0, $0xb8;
	[tilespmem:$0x18400] =	vst v63  }
0x185: {  	s8 =	simm.s32 $0xFC00  }
0x186: {  	[hbm4b:s6+s2] =	stream.indirect_vreg.scatter [tilespmem:s8], [sflag:$0x5], $0x80, v3, vm0, $0xb8;
	[tilespmem:$0x18400] =	vst v63  }
0x187: {  	s8 =	simm.s32 $0x3  }
0x188: {  	_ =	swait.ge [sflag:s8], $0x8000  }
0x189: {  	[sflag:s8] =	ssyncset.done $0x0  }
0x18a: {  	[sflag:s8] =	ssyncadd.s32 $0xFFFF8000  }
0x18b: {  	v3 =	vld [tilespmem:$0x300];
	_ =	sdelay $0x4  }
0x18c: {  	v56 =	vshll.u32 v3, $0x2  }
0x18d: {  	v3 =	vand.u32 $0x7, v3;
	v4 =	vand.u32 $0xFFFFFFE0, v56  }
0x18e: {  	v3 =	vor.u32 v3, v4  }
0x18f: {  	v4 =	vperm.xlane v3, v0;
	_ =	sdelay $0x1  }
0x190: {  	v4 =	vadd.s32 v1, v4;
	_ =	sdelay $0x1  }
0x191: {  	v3 =	vperm.xlane v3, v2;
	_ =	sdelay $0x1  }
0x192: {  	s8 =	simm.s32 $0x10400;
	v3 =	vadd.s32 v1, v3  }
0x193: {  	[hbm4b:s4+s2] =	stream.indirect_vreg.scatter [tilespmem:s8], [sflag:$0x6], $0x80, v4, vm0, $0xb8;
	[tilespmem:$0x18400] =	vst v63  }
0x194: {  	s8 =	simm.s32 $0x10C00  }
0x195: {  	[hbm4b:s6+s2] =	stream.indirect_vreg.scatter [tilespmem:s8], [sflag:$0x6], $0x80, v4, vm0, $0xb8;
	[tilespmem:$0x18400] =	vst v63  }
0x196: {  	s8 =	simm.s32 $0x11400  }
0x197: {  	[hbm4b:s4+s2] =	stream.indirect_vreg.scatter [tilespmem:s8], [sflag:$0x6], $0x80, v3, vm0, $0xb8;
	[tilespmem:$0x18400] =	vst v63  }
0x198: {  	s8 =	simm.s32 $0x11C00  }
0x199: {  	[hbm4b:s6+s2] =	stream.indirect_vreg.scatter [tilespmem:s8], [sflag:$0x6], $0x80, v3, vm0, $0xb8;
	[tilespmem:$0x18400] =	vst v63  }
0x19a: {  	v3 =	vld [tilespmem:$0x310];
	_ =	sdelay $0x4  }
0x19b: {  	v57 =	vshll.u32 v3, $0x2  }
0x19c: {  	v3 =	vand.u32 $0x7, v3;
	v4 =	vand.u32 $0xFFFFFFE0, v57  }
0x19d: {  	v3 =	vor.u32 v3, v4  }
0x19e: {  	v4 =	vperm.xlane v3, v0;
	_ =	sdelay $0x1  }
0x19f: {  	v4 =	vadd.s32 v1, v4;
	_ =	sdelay $0x1  }
0x1a0: {  	v3 =	vperm.xlane v3, v2;
	_ =	sdelay $0x1  }
0x1a1: {  	s8 =	simm.s32 $0x12400;
	v3 =	vadd.s32 v1, v3  }
0x1a2: {  	[hbm4b:s4+s2] =	stream.indirect_vreg.scatter [tilespmem:s8], [sflag:$0x6], $0x80, v4, vm0, $0xb8;
	[tilespmem:$0x18400] =	vst v63  }
0x1a3: {  	s8 =	simm.s32 $0x12C00  }
0x1a4: {  	[hbm4b:s6+s2] =	stream.indirect_vreg.scatter [tilespmem:s8], [sflag:$0x6], $0x80, v4, vm0, $0xb8;
	[tilespmem:$0x18400] =	vst v63  }
0x1a5: {  	s8 =	simm.s32 $0x13400  }
0x1a6: {  	[hbm4b:s4+s2] =	stream.indirect_vreg.scatter [tilespmem:s8], [sflag:$0x6], $0x80, v3, vm0, $0xb8;
	[tilespmem:$0x18400] =	vst v63  }
0x1a7: {  	s8 =	simm.s32 $0x13C00  }
0x1a8: {  	[hbm4b:s6+s2] =	stream.indirect_vreg.scatter [tilespmem:s8], [sflag:$0x6], $0x80, v3, vm0, $0xb8;
	[tilespmem:$0x18400] =	vst v63  }
0x1a9: {  	v3 =	vld [tilespmem:$0x320];
	_ =	sdelay $0x4  }
0x1aa: {  	v58 =	vshll.u32 v3, $0x2  }
0x1ab: {  	v3 =	vand.u32 $0x7, v3;
	v4 =	vand.u32 $0xFFFFFFE0, v58  }
0x1ac: {  	v3 =	vor.u32 v3, v4  }
0x1ad: {  	v4 =	vperm.xlane v3, v0;
	_ =	sdelay $0x1  }
0x1ae: {  	v4 =	vadd.s32 v1, v4;
	_ =	sdelay $0x1  }
0x1af: {  	v3 =	vperm.xlane v3, v2;
	_ =	sdelay $0x1  }
0x1b0: {  	s8 =	simm.s32 $0x14400;
	v3 =	vadd.s32 v1, v3  }
0x1b1: {  	[hbm4b:s4+s2] =	stream.indirect_vreg.scatter [tilespmem:s8], [sflag:$0x6], $0x80, v4, vm0, $0xb8;
	[tilespmem:$0x18400] =	vst v63  }
0x1b2: {  	s8 =	simm.s32 $0x14C00  }
0x1b3: {  	[hbm4b:s6+s2] =	stream.indirect_vreg.scatter [tilespmem:s8], [sflag:$0x6], $0x80, v4, vm0, $0xb8;
	[tilespmem:$0x18400] =	vst v63  }
0x1b4: {  	s8 =	simm.s32 $0x15400  }
0x1b5: {  	[hbm4b:s4+s2] =	stream.indirect_vreg.scatter [tilespmem:s8], [sflag:$0x6], $0x80, v3, vm0, $0xb8;
	[tilespmem:$0x18400] =	vst v63  }
0x1b6: {  	s8 =	simm.s32 $0x15C00  }
0x1b7: {  	[hbm4b:s6+s2] =	stream.indirect_vreg.scatter [tilespmem:s8], [sflag:$0x6], $0x80, v3, vm0, $0xb8;
	[tilespmem:$0x18400] =	vst v63  }
0x1b8: {  	v3 =	vld [tilespmem:$0x330];
	_ =	sdelay $0x4  }
0x1b9: {  	v59 =	vshll.u32 v3, $0x2  }
0x1ba: {  	v3 =	vand.u32 $0x7, v3;
	v4 =	vand.u32 $0xFFFFFFE0, v59  }
0x1bb: {  	v3 =	vor.u32 v3, v4  }
0x1bc: {  	v4 =	vperm.xlane v3, v0;
	_ =	sdelay $0x1  }
0x1bd: {  	v4 =	vadd.s32 v1, v4;
	_ =	sdelay $0x1  }
0x1be: {  	v3 =	vperm.xlane v3, v2;
	_ =	sdelay $0x1  }
0x1bf: {  	s8 =	simm.s32 $0x16400;
	v3 =	vadd.s32 v1, v3  }
0x1c0: {  	[hbm4b:s4+s2] =	stream.indirect_vreg.scatter [tilespmem:s8], [sflag:$0x6], $0x80, v4, vm0, $0xb8;
	[tilespmem:$0x18400] =	vst v63  }
0x1c1: {  	s8 =	simm.s32 $0x16C00  }
0x1c2: {  	[hbm4b:s6+s2] =	stream.indirect_vreg.scatter [tilespmem:s8], [sflag:$0x6], $0x80, v4, vm0, $0xb8;
	[tilespmem:$0x18400] =	vst v63  }
0x1c3: {  	s8 =	simm.s32 $0x17400  }
0x1c4: {  	[hbm4b:s4+s2] =	stream.indirect_vreg.scatter [tilespmem:s8], [sflag:$0x6], $0x80, v3, vm0, $0xb8;
	[tilespmem:$0x18400] =	vst v63  }
0x1c5: {  	s8 =	simm.s32 $0x17C00  }
0x1c6: {  	[hbm4b:s6+s2] =	stream.indirect_vreg.scatter [tilespmem:s8], [sflag:$0x6], $0x80, v3, vm0, $0xb8;
	[tilespmem:$0x18400] =	vst v63  }
0x1c7: {  	_ =	swait.ge [sflag:s0], $0x8000  }
0x1c8: {  	[sflag:s0] =	ssyncset.done $0x0  }
0x1c9: {  	[sflag:s0] =	ssyncadd.s32 $0xFFFF8000  }
0x1ca: {  	v3 =	vld [tilespmem:$0x380];
	_ =	sdelay $0x4  }
0x1cb: {  	v60 =	vshll.u32 v3, $0x2  }
0x1cc: {  	v3 =	vand.u32 $0x7, v3;
	v4 =	vand.u32 $0xFFFFFFE0, v60  }
0x1cd: {  	v3 =	vor.u32 v3, v4  }
0x1ce: {  	v4 =	vperm.xlane v3, v0;
	_ =	sdelay $0x1  }
0x1cf: {  	v4 =	vadd.s32 v1, v4;
	_ =	sdelay $0x1  }
0x1d0: {  	v3 =	vperm.xlane v3, v2;
	_ =	sdelay $0x1  }
0x1d1: {  	s7 =	simm.s32 $0x400;
	v3 =	vadd.s32 v1, v3  }
0x1d2: {  	[hbm4b:s4+s2] =	stream.indirect_vreg.scatter [tilespmem:s7], [sflag:$0x4], $0x80, v4, vm0, $0xb8;
	[tilespmem:$0x18400] =	vst v63  }
0x1d3: {  	s8 =	simm.s32 $0xC00  }
0x1d4: {  	[hbm4b:s6+s2] =	stream.indirect_vreg.scatter [tilespmem:s8], [sflag:$0x4], $0x80, v4, vm0, $0xb8;
	[tilespmem:$0x18400] =	vst v63  }
0x1d5: {  	s18 =	simm.s32 $0x1400  }
0x1d6: {  	[hbm4b:s4+s2] =	stream.indirect_vreg.scatter [tilespmem:s18], [sflag:$0x4], $0x80, v3, vm0, $0xb8;
	[tilespmem:$0x18400] =	vst v63  }
0x1d7: {  	s18 =	simm.s32 $0x1C00  }
0x1d8: {  	[hbm4b:s6+s2] =	stream.indirect_vreg.scatter [tilespmem:s18], [sflag:$0x4], $0x80, v3, vm0, $0xb8;
	[tilespmem:$0x18400] =	vst v63  }
0x1d9: {  	v3 =	vld [tilespmem:$0x390];
	_ =	sdelay $0x4  }
0x1da: {  	v61 =	vshll.u32 v3, $0x2  }
0x1db: {  	v3 =	vand.u32 $0x7, v3;
	v4 =	vand.u32 $0xFFFFFFE0, v61  }
0x1dc: {  	v3 =	vor.u32 v3, v4  }
0x1dd: {  	v4 =	vperm.xlane v3, v0;
	_ =	sdelay $0x1  }
0x1de: {  	v4 =	vadd.s32 v1, v4;
	_ =	sdelay $0x1  }
0x1df: {  	v3 =	vperm.xlane v3, v2;
	_ =	sdelay $0x1  }
0x1e0: {  	s19 =	simm.s32 $0x2400;
	v3 =	vadd.s32 v1, v3  }
0x1e1: {  	[hbm4b:s4+s2] =	stream.indirect_vreg.scatter [tilespmem:s19], [sflag:$0x4], $0x80, v4, vm0, $0xb8;
	[tilespmem:$0x18400] =	vst v63  }
0x1e2: {  	s20 =	simm.s32 $0x2C00  }
0x1e3: {  	[hbm4b:s6+s2] =	stream.indirect_vreg.scatter [tilespmem:s20], [sflag:$0x4], $0x80, v4, vm0, $0xb8;
	[tilespmem:$0x18400] =	vst v63  }
0x1e4: {  	s21 =	simm.s32 $0x3400  }
0x1e5: {  	[hbm4b:s4+s2] =	stream.indirect_vreg.scatter [tilespmem:s21], [sflag:$0x4], $0x80, v3, vm0, $0xb8;
	[tilespmem:$0x18400] =	vst v63  }
0x1e6: {  	s13 =	simm.s32 $0x3C00  }
0x1e7: {  	[hbm4b:s6+s2] =	stream.indirect_vreg.scatter [tilespmem:s13], [sflag:$0x4], $0x80, v3, vm0, $0xb8;
	[tilespmem:$0x18400] =	vst v63  }
0x1e8: {  	v3 =	vld [tilespmem:$0x3A0];
	_ =	sdelay $0x4  }
0x1e9: {  	v62 =	vshll.u32 v3, $0x2  }
0x1ea: {  	v3 =	vand.u32 $0x7, v3;
	v4 =	vand.u32 $0xFFFFFFE0, v62  }
0x1eb: {  	v3 =	vor.u32 v3, v4  }
0x1ec: {  	v4 =	vperm.xlane v3, v0;
	_ =	sdelay $0x1  }
0x1ed: {  	v4 =	vadd.s32 v1, v4;
	_ =	sdelay $0x1  }
0x1ee: {  	v3 =	vperm.xlane v3, v2;
	_ =	sdelay $0x1  }
0x1ef: {  	s22 =	simm.s32 $0x4400;
	v3 =	vadd.s32 v1, v3  }
0x1f0: {  	[hbm4b:s4+s2] =	stream.indirect_vreg.scatter [tilespmem:s22], [sflag:$0x4], $0x80, v4, vm0, $0xb8;
	[tilespmem:$0x18400] =	vst v63  }
0x1f1: {  	s23 =	simm.s32 $0x4C00  }
0x1f2: {  	[hbm4b:s6+s2] =	stream.indirect_vreg.scatter [tilespmem:s23], [sflag:$0x4], $0x80, v4, vm0, $0xb8;
	[tilespmem:$0x18400] =	vst v63  }
0x1f3: {  	s24 =	simm.s32 $0x5400  }
0x1f4: {  	[hbm4b:s4+s2] =	stream.indirect_vreg.scatter [tilespmem:s24], [sflag:$0x4], $0x80, v3, vm0, $0xb8;
	[tilespmem:$0x18400] =	vst v63  }
0x1f5: {  	s14 =	simm.s32 $0x5C00  }
0x1f6: {  	[hbm4b:s6+s2] =	stream.indirect_vreg.scatter [tilespmem:s14], [sflag:$0x4], $0x80, v3, vm0, $0xb8;
	[tilespmem:$0x18400] =	vst v63  }
0x1f7: {  	v3 =	vld [tilespmem:$0x3B0];
	_ =	sdelay $0x4  }
0x1f8: {  	v63 =	vshll.u32 v3, $0x2  }
0x1f9: {  	v3 =	vand.u32 $0x7, v3;
	v4 =	vand.u32 $0xFFFFFFE0, v63  }
0x1fa: {  	v3 =	vor.u32 v3, v4  }
0x1fb: {  	v4 =	vperm.xlane v3, v0;
	_ =	sdelay $0x1  }
0x1fc: {  	v4 =	vadd.s32 v1, v4;
	_ =	sdelay $0x1  }
0x1fd: {  	v3 =	vperm.xlane v3, v2;
	_ =	sdelay $0x1  }
0x1fe: {  	s9 =	simm.s32 $0x6400;
	v3 =	vadd.s32 v1, v3  }
0x1ff: {  	[hbm4b:s4+s2] =	stream.indirect_vreg.scatter [tilespmem:s9], [sflag:$0x4], $0x80, v4, vm0, $0xb8;
	[tilespmem:$0x18400] =	vst v63  }
0x200: {  	s10 =	simm.s32 $0x6C00  }
0x201: {  	[hbm4b:s6+s2] =	stream.indirect_vreg.scatter [tilespmem:s10], [sflag:$0x4], $0x80, v4, vm0, $0xb8;
	[tilespmem:$0x18400] =	vst v63  }
0x202: {  	s11 =	simm.s32 $0x7400  }
0x203: {  	[hbm4b:s4+s2] =	stream.indirect_vreg.scatter [tilespmem:s11], [sflag:$0x4], $0x80, v3, vm0, $0xb8;
	[tilespmem:$0x18400] =	vst v63  }
0x204: {  	s12 =	simm.s32 $0x7C00;
	s23 =	simm.s32 $0x5  }
0x205: {  	[hbm4b:s6+s2] =	stream.indirect_vreg.scatter [tilespmem:s12], [sflag:$0x4], $0x80, v3, vm0, $0xb8;
	[tilespmem:$0x18400] =	vst v63  }
0x206: {  	_ =	swait.ge [sflag:s23], $0x8000  }
0x207: {  	[sflag:s23] =	ssyncset.done $0x0  }
0x208: {  	s24 =	simm.s32 $0x6;
	[sflag:s23] =	ssyncadd.s32 $0xFFFF8000  }
0x209: {  	p0 =	sne.s32 s17, $0x1;
	_ =	swait.ge [sflag:s24], $0x8000  }
.Ltmp0:
0x20a: {  	[sflag:s24] =	ssyncset.done $0x0;
	(pc) =	sbr.rel @p0 .LBB2_1-.Ltmp0, $4  }
0x20b: {  	[sflag:s24] =	ssyncadd.s32 $0xFFFF8000  }
0x20c: {  	_ =	swait.ge [sflag:s1], $0x8000  }
0x20d: {  	[sflag:s1] =	ssyncset.done $0x0  }
0x20e: {  	s17 =	sadd.s32 $0xFFFFFFFF, s17;
	[sflag:s1] =	ssyncadd.s32 $0xFFFF8000  }
0x20f: {  	_ =	sfence.sel $0x180000  }
0x210: {  	[bflag:$0x0] =	sbarrier.arrive $0xFFFF  }
0x211: {  	_ =	strace $0x90000047  }
0x212: {  	s0 =	stileid.u32;
	[bflag:$0x2] =	sbarrier.arrive $0xFFFF  }
0x213: {  	p0 =	sne.s32 s0, $0x0;
	s0 =	rddreg [dreg:$0x1]  }
0x214: {  	s0 =	sadd.s32 @!p0 $0x100000, s0  }
0x215: {  	[sflag:s0] =	ssyncadd.tile.s32 @!p0 $0x1;
	_ =	shalt  }
.Lfunc_end2:
_tile_overlayer_lowered:
.L_overlay_start_2:
0x216: {  	(tag) =	ssettag $0x2  }
0x217: {  	s0 =	rddreg [dreg:$0x0];
	s2 =	stileid.u32  }
0x218: {  	s1 =	rddreg [dreg:$0x1];
	p0 =	sne.s32 s2, $0x0  }
0x219: {  	s3 =	rddreg [dreg:$0x2];
	[bflag:$0x3] =	sbarrier.arrive $0xFFFF;
	s2 =	simm.s32 @!p0 $0x1C07  }
0x21a: {  	[timem:s3], [sflag:s2] =	dma.local @!p0 [hbm:s0], s1  }
0x21b: {  	s0 =	simm.s32 @!p0 $0x7  }
0x21c: {  	_ =	swait.ge @!p0 [sflag:s0], s1  }
0x21d: {  	s1 =	ssub.s32 @!p0 $0x0, s1;
	[sflag:s0] =	ssyncset.done @!p0 $0x0  }
0x21e: {  	[sflag:s0] =	ssyncadd.s32 @!p0 s1  }
0x21f: {  	[bflag:$0x3] =	sbarrier.arrive $0xFFFF  }
0x220: {  	_ =	shalt  }

</sc_bundles>
